<compile_context>
chip_gen: v7x
topology: tpu7x:2x2x1
jax: 0.10.2.dev20260603
libtpu: 0.0.44.dev20260713+nightly
codegen_flags: <defaults>
</compile_context>

<pallas_src>
import functools

import jax
import jax.numpy as jnp
from jax import lax
from jax.experimental import pallas as pl
from jax.experimental.pallas import tpu as pltpu
from jax.experimental.pallas import tpu_sc as plsc

VOCAB = 1000000
EMBED = 64
BATCH = 16384
NEG = 10
SLOTS = 16

NUM_CORES = 2
NUM_SUBCORES = 16
LANES = 16
NW = NUM_CORES * NUM_SUBCORES
PER_W = BATCH // NW
CHUNK = 128
NCHUNKS = PER_W // CHUNK


_mesh = plsc.VectorSubcoreMesh(core_axis_name="c", subcore_axis_name="s",
                               num_cores=NUM_CORES)


@functools.partial(
    pl.kernel,
    out_type=jax.ShapeDtypeStruct((BATCH, SLOTS), jnp.float32),
    mesh=_mesh,
    compiler_params=pltpu.CompilerParams(needs_layout_passes=False,
                                         use_tc_tiling_on_sc=False),
    scratch_types=[
        pltpu.VMEM((CHUNK,), jnp.int32),
        pltpu.VMEM((CHUNK,), jnp.int32),
        pltpu.VMEM((NEG, CHUNK), jnp.int32),
        pltpu.VMEM((CHUNK, EMBED), jnp.float32),
        pltpu.VMEM((CHUNK, EMBED), jnp.float32),
        pltpu.VMEM((NEG, CHUNK, EMBED), jnp.float32),
        pltpu.VMEM((CHUNK, SLOTS), jnp.float32),
        pltpu.SemaphoreType.DMA,
    ],
)
def _scores_sc(iw_hbm, cw_hbm, negt_hbm, win_hbm, wctx_hbm, out_hbm,
               idx_in, idx_ctx, idx_neg, ei, ec, en, sc_v, sem):
    wid = lax.axis_index("s") * NUM_CORES + lax.axis_index("c")
    lane = lax.iota(jnp.int32, LANES)

    def chunk_body(ci, _):
        base = wid * PER_W + ci * CHUNK
        pltpu.sync_copy(iw_hbm.at[pl.ds(base, CHUNK)], idx_in)
        pltpu.sync_copy(cw_hbm.at[pl.ds(base, CHUNK)], idx_ctx)
        for k in range(NEG):
            pltpu.sync_copy(negt_hbm.at[pl.ds(k * BATCH + base, CHUNK)],
                            idx_neg.at[k])
        copies = [
            pltpu.async_copy(win_hbm.at[idx_in], ei, sem),
            pltpu.async_copy(wctx_hbm.at[idx_ctx], ec, sem),
        ]
        for k in range(NEG):
            copies.append(pltpu.async_copy(wctx_hbm.at[idx_neg.at[k]],
                                           en.at[k], sem))
        for c in copies:
            c.wait()

        nq = EMBED // LANES

        def j_body(j, _):
            eir = [ei[j, pl.ds(q * LANES, LANES)] for q in range(nq)]
            ecr = [ec[j, pl.ds(q * LANES, LANES)] for q in range(nq)]
            p = eir[0] * ecr[0]
            for q in range(1, nq):
                p = p + eir[q] * ecr[q]
            vals = jnp.where(lane == 0, jnp.sum(p), 0.0)
            for k in range(NEG):
                enr = [en[k, j, pl.ds(q * LANES, LANES)] for q in range(nq)]
                p = eir[0] * enr[0]
                for q in range(1, nq):
                    p = p + eir[q] * enr[q]
                vals = jnp.where(lane == k + 1, -jnp.sum(p), vals)
            sc_v[j, :] = vals
            return 0

        lax.fori_loop(0, CHUNK, j_body, 0)
        pltpu.sync_copy(sc_v, out_hbm.at[pl.ds(base, CHUNK)])
        return 0

    lax.fori_loop(0, NCHUNKS, chunk_body, 0)


def _loss_tc(scores_ref, out_ref):
    x = scores_ref[...]
    col = lax.broadcasted_iota(jnp.int32, x.shape, 1)
    ls = jnp.minimum(x, 0.0) - jnp.log1p(jnp.exp(-jnp.abs(x)))
    m = jnp.where(col < NEG + 1, ls, 0.0)
    out_ref[0, 0] = -jnp.sum(m) / BATCH


def kernel(input_word, context_word, W_in, W_ctx):
    neg = jax.random.randint(jax.random.key(1234), (BATCH, NEG), 0, VOCAB)
    negt = neg.astype(jnp.int32).T.reshape(-1)
    iw = input_word.astype(jnp.int32)
    cw = context_word.astype(jnp.int32)
    scores = _scores_sc(iw, cw, negt, W_in, W_ctx)
    loss = pl.pallas_call(
        _loss_tc,
        out_shape=jax.ShapeDtypeStruct((1, 1), jnp.float32),
        out_specs=pl.BlockSpec(memory_space=pltpu.SMEM),
    )(scores)
    return loss[0, 0]

# --- scband reference (transcript-rebuilt; emitter-appended) ---
"""Pipeline reference for scband-word2vec-neg-sampling-29798483100076 (READ-ONLY COPY).

The authoritative reference and input builder live on the scoring server;
editing this copy changes nothing except your own understanding.
"""

import jax, jax.numpy as jnp
import numpy as np

VOCAB = 1000000
EMBED = 64
BATCH = 16384
NEG = 10

def setup_inputs(seed: int = 0) -> dict:
    key = jax.random.key(seed)
    k1, k2, k3, k4 = jax.random.split(key, 4)
    input_word = jax.random.randint(k1, (BATCH,), 0, VOCAB, dtype=jnp.int64) if jax.config.jax_enable_x64 else jax.random.randint(k1, (BATCH,), 0, VOCAB, dtype=jnp.int32)
    context_word = jax.random.randint(k2, (BATCH,), 0, VOCAB, dtype=jnp.int64) if jax.config.jax_enable_x64 else jax.random.randint(k2, (BATCH,), 0, VOCAB, dtype=jnp.int32)
    W_in = jax.random.uniform(k3, (VOCAB, EMBED), minval=-1.0, maxval=1.0, dtype=jnp.float32)
    W_ctx = jax.random.uniform(k4, (VOCAB, EMBED), minval=-1.0, maxval=1.0, dtype=jnp.float32)
    return {"input_word": input_word, "context_word": context_word, "W_in": W_in, "W_ctx": W_ctx}

def reference(input_word, context_word, W_in, W_ctx):
    batch_size = context_word.shape[0]
    # embedding gathers
    emb_input = jnp.take(W_in, input_word, axis=0)          # [B, D]
    emb_context = jnp.take(W_ctx, context_word, axis=0)     # [B, D]
    # positive term
    emb_product = jnp.sum(emb_input * emb_context, axis=1)  # [B]
    out_loss = jax.nn.log_sigmoid(emb_product)
    # negative sampling: noise_dist=None -> uniform multinomial over vocab
    neg_key = jax.random.key(1234)
    negative_example = jax.random.randint(neg_key, (batch_size, NEG), 0, VOCAB)  # [B, K]
    emb_negative = jnp.take(W_ctx, negative_example, axis=0)  # [B, K, D]
    # bmm of (-emb_negative) [B,K,D] with emb_input [B,D,1] -> [B,K]
    emb_product_neg = jnp.einsum('bkd,bd->bk', -emb_negative, emb_input)
    noise_loss = jnp.sum(jax.nn.log_sigmoid(emb_product_neg), axis=1)  # [B]
    total_loss = -jnp.mean(out_loss + noise_loss)
    return total_loss

if __name__ == "__main__":
    import jax
    _d = setup_inputs()
    print(jax.jit(kernel)(*tuple(_d.values())))

</pallas_src>

<mosaic_0001>
#map = affine_map<(d0, d1) -> (0)>
#map1 = affine_map<(d0, d1) -> (0, 0)>
module attributes {stable_mosaic.version = 14 : i64} {
  func.func @_scores_sc(%arg0: i32, %arg1: i32, %arg2: memref<16384xi32, #tpu.memory_space<hbm>>, %arg3: memref<16384xi32, #tpu.memory_space<hbm>>, %arg4: memref<163840xi32, #tpu.memory_space<hbm>>, %arg5: memref<1000000x64xf32, #tpu.memory_space<hbm>>, %arg6: memref<1000000x64xf32, #tpu.memory_space<hbm>>, %arg7: memref<16384x16xf32, #tpu.memory_space<hbm>>, %arg8: memref<128xi32, #tpu.memory_space<vmem>>, %arg9: memref<128xi32, #tpu.memory_space<vmem>>, %arg10: memref<10x128xi32, #tpu.memory_space<vmem>>, %arg11: memref<128x64xf32, #tpu.memory_space<vmem>>, %arg12: memref<128x64xf32, #tpu.memory_space<vmem>>, %arg13: memref<10x128x64xf32, #tpu.memory_space<vmem>>, %arg14: memref<128x16xf32, #tpu.memory_space<vmem>>, %arg15: memref<!tpu.dma_semaphore, #tpu.memory_space<semaphore_mem>>) attributes {dimension_semantics = [#tpu.dimension_semantics<core_parallel>, #tpu.dimension_semantics<subcore_parallel>], iteration_bounds = array<i64: 2, 16>, scalar_prefetch = 0 : i64, scratch_operands = 8 : i64, tpu.core_type = #tpu.core_type<sc_vector_subcore>, window_params = [{transform_indices = #map}, {transform_indices = #map}, {transform_indices = #map}, {transform_indices = #map1}, {transform_indices = #map1}, {transform_indices = #map1}]} {
    %mul3A = arith.constant 2 : i32
    %mul3A_0 = arith.muli %arg1, %mul3A : i32
    %add3A = arith.addi %mul3A_0, %arg0 : i32
    %iota3A = tpu.iota {dimensions = array<i32: 0>} : vector<16xi32>
    %scan3A = arith.constant 0 : i32
    %scan3A_1 = arith.constant 0 : i32
    %scan3A_2 = arith.constant 4 : i32
    %scan3A_3 = arith.addi %scan3A_1, %scan3A_2 : i32
    %scan3A_4 = arith.constant 1 : i32
    %scan3A_5 = scf.for %scan3A_7 = %scan3A_1 to %scan3A_3 step %scan3A_4 iter_args(%scan3A_8 = %scan3A) -> (i32)  : i32 {
      %mul3A_9 = arith.constant 512 : i32
      %mul3A_10 = arith.muli %add3A, %mul3A_9 : i32
      %mul3A_11 = arith.constant 128 : i32
      %mul3A_12 = arith.muli %scan3A_7, %mul3A_11 : i32
      %add3A_13 = arith.addi %mul3A_10, %mul3A_12 : i32
      "tpu.region"() ({
        %run_scoped3A_301 = tpu.sem_alloc : memref<!tpu.dma_semaphore, #tpu.memory_space<semaphore_mem>>
        %dma_start3A_302 = tpu.memref_slice %arg2[%add3A_13] : memref<16384xi32, #tpu.memory_space<hbm>> -> memref<128xi32, #tpu.memory_space<hbm>>
        %dma_start3A_303 = tpu.memref_slice %arg2[%add3A_13] : memref<16384xi32, #tpu.memory_space<hbm>> -> memref<128xi32, #tpu.memory_space<hbm>>
        tpu.enqueue_dma source(%dma_start3A_303 : memref<128xi32, #tpu.memory_space<hbm>>) target(%arg8 : memref<128xi32, #tpu.memory_space<vmem>>) target_semaphore(%run_scoped3A_301 : memref<!tpu.dma_semaphore, #tpu.memory_space<semaphore_mem>>)
        %dma_wait3A_304 = tpu.memref_slice %arg2[%add3A_13] : memref<16384xi32, #tpu.memory_space<hbm>> -> memref<128xi32, #tpu.memory_space<hbm>>
        %dma_wait3A_305 = tpu.memref_slice %arg2[%add3A_13] : memref<16384xi32, #tpu.memory_space<hbm>> -> memref<128xi32, #tpu.memory_space<hbm>>
        tpu.wait_dma2 semaphore(%run_scoped3A_301 : memref<!tpu.dma_semaphore, #tpu.memory_space<semaphore_mem>>) src(%dma_wait3A_305 : memref<128xi32, #tpu.memory_space<hbm>>) dst(%arg8 : memref<128xi32, #tpu.memory_space<vmem>>)
        tpu.yield
      }) : () -> ()
      "tpu.region"() ({
        %run_scoped3A_301 = tpu.sem_alloc : memref<!tpu.dma_semaphore, #tpu.memory_space<semaphore_mem>>
        %dma_start3A_302 = tpu.memref_slice %arg3[%add3A_13] : memref<16384xi32, #tpu.memory_space<hbm>> -> memref<128xi32, #tpu.memory_space<hbm>>
        %dma_start3A_303 = tpu.memref_slice %arg3[%add3A_13] : memref<16384xi32, #tpu.memory_space<hbm>> -> memref<128xi32, #tpu.memory_space<hbm>>
        tpu.enqueue_dma source(%dma_start3A_303 : memref<128xi32, #tpu.memory_space<hbm>>) target(%arg9 : memref<128xi32, #tpu.memory_space<vmem>>) target_semaphore(%run_scoped3A_301 : memref<!tpu.dma_semaphore, #tpu.memory_space<semaphore_mem>>)
        %dma_wait3A_304 = tpu.memref_slice %arg3[%add3A_13] : memref<16384xi32, #tpu.memory_space<hbm>> -> memref<128xi32, #tpu.memory_space<hbm>>
        %dma_wait3A_305 = tpu.memref_slice %arg3[%add3A_13] : memref<16384xi32, #tpu.memory_space<hbm>> -> memref<128xi32, #tpu.memory_space<hbm>>
        tpu.wait_dma2 semaphore(%run_scoped3A_301 : memref<!tpu.dma_semaphore, #tpu.memory_space<semaphore_mem>>) src(%dma_wait3A_305 : memref<128xi32, #tpu.memory_space<hbm>>) dst(%arg9 : memref<128xi32, #tpu.memory_space<vmem>>)
        tpu.yield
      }) : () -> ()
      %add3A_14 = arith.constant 0 : i32
      %add3A_15 = arith.addi %add3A_14, %add3A_13 : i32
      %run_scoped3A = arith.constant 0 : i32
      "tpu.region"() ({
        %run_scoped3A_301 = tpu.sem_alloc : memref<!tpu.dma_semaphore, #tpu.memory_space<semaphore_mem>>
        %dma_start3A_302 = arith.constant 0 : i32
        %dma_start3A_303 = tpu.memref_slice %arg10[%run_scoped3A, %dma_start3A_302] : memref<10x128xi32, #tpu.memory_space<vmem>> -> memref<1x128xi32, #tpu.memory_space<vmem>>
        %dma_start3A_304 = tpu.memref_squeeze %dma_start3A_303 : memref<1x128xi32, #tpu.memory_space<vmem>> -> memref<128xi32, #tpu.memory_space<vmem>>
        %dma_start3A_305 = tpu.memref_slice %arg4[%add3A_15] : memref<163840xi32, #tpu.memory_space<hbm>> -> memref<128xi32, #tpu.memory_space<hbm>>
        %dma_start3A_306 = arith.constant 0 : i32
        %dma_start3A_307 = tpu.memref_slice %arg10[%run_scoped3A, %dma_start3A_306] : memref<10x128xi32, #tpu.memory_space<vmem>> -> memref<1x128xi32, #tpu.memory_space<vmem>>
        %dma_start3A_308 = tpu.memref_squeeze %dma_start3A_307 : memref<1x128xi32, #tpu.memory_space<vmem>> -> memref<128xi32, #tpu.memory_space<vmem>>
        %dma_start3A_309 = tpu.memref_slice %arg4[%add3A_15] : memref<163840xi32, #tpu.memory_space<hbm>> -> memref<128xi32, #tpu.memory_space<hbm>>
        tpu.enqueue_dma source(%dma_start3A_309 : memref<128xi32, #tpu.memory_space<hbm>>) target(%dma_start3A_308 : memref<128xi32, #tpu.memory_space<vmem>>) target_semaphore(%run_scoped3A_301 : memref<!tpu.dma_semaphore, #tpu.memory_space<semaphore_mem>>)
        %dma_wait3A_310 = arith.constant 0 : i32
        %dma_wait3A_311 = tpu.memref_slice %arg10[%run_scoped3A, %dma_wait3A_310] : memref<10x128xi32, #tpu.memory_space<vmem>> -> memref<1x128xi32, #tpu.memory_space<vmem>>
        %dma_wait3A_312 = tpu.memref_squeeze %dma_wait3A_311 : memref<1x128xi32, #tpu.memory_space<vmem>> -> memref<128xi32, #tpu.memory_space<vmem>>
        %dma_wait3A_313 = tpu.memref_slice %arg4[%add3A_15] : memref<163840xi32, #tpu.memory_space<hbm>> -> memref<128xi32, #tpu.memory_space<hbm>>
        %dma_wait3A_314 = arith.constant 0 : i32
        %dma_wait3A_315 = tpu.memref_slice %arg10[%run_scoped3A, %dma_wait3A_314] : memref<10x128xi32, #tpu.memory_space<vmem>> -> memref<1x128xi32, #tpu.memory_space<vmem>>
        %dma_wait3A_316 = tpu.memref_squeeze %dma_wait3A_315 : memref<1x128xi32, #tpu.memory_space<vmem>> -> memref<128xi32, #tpu.memory_space<vmem>>
        %dma_wait3A_317 = tpu.memref_slice %arg4[%add3A_15] : memref<163840xi32, #tpu.memory_space<hbm>> -> memref<128xi32, #tpu.memory_space<hbm>>
        tpu.wait_dma2 semaphore(%run_scoped3A_301 : memref<!tpu.dma_semaphore, #tpu.memory_space<semaphore_mem>>) src(%dma_wait3A_317 : memref<128xi32, #tpu.memory_space<hbm>>) dst(%dma_wait3A_316 : memref<128xi32, #tpu.memory_space<vmem>>)
        tpu.yield
      }) : () -> ()
      %add3A_16 = arith.constant 16384 : i32
      %add3A_17 = arith.addi %add3A_16, %add3A_13 : i32
      %run_scoped3A_18 = arith.constant 1 : i32
      "tpu.region"() ({
        %run_scoped3A_301 = tpu.sem_alloc : memref<!tpu.dma_semaphore, #tpu.memory_space<semaphore_mem>>
        %dma_start3A_302 = arith.constant 0 : i32
        %dma_start3A_303 = tpu.memref_slice %arg10[%run_scoped3A_18, %dma_start3A_302] : memref<10x128xi32, #tpu.memory_space<vmem>> -> memref<1x128xi32, #tpu.memory_space<vmem>>
        %dma_start3A_304 = tpu.memref_squeeze %dma_start3A_303 : memref<1x128xi32, #tpu.memory_space<vmem>> -> memref<128xi32, #tpu.memory_space<vmem>>
        %dma_start3A_305 = tpu.memref_slice %arg4[%add3A_17] : memref<163840xi32, #tpu.memory_space<hbm>> -> memref<128xi32, #tpu.memory_space<hbm>>
        %dma_start3A_306 = arith.constant 0 : i32
        %dma_start3A_307 = tpu.memref_slice %arg10[%run_scoped3A_18, %dma_start3A_306] : memref<10x128xi32, #tpu.memory_space<vmem>> -> memref<1x128xi32, #tpu.memory_space<vmem>>
        %dma_start3A_308 = tpu.memref_squeeze %dma_start3A_307 : memref<1x128xi32, #tpu.memory_space<vmem>> -> memref<128xi32, #tpu.memory_space<vmem>>
        %dma_start3A_309 = tpu.memref_slice %arg4[%add3A_17] : memref<163840xi32, #tpu.memory_space<hbm>> -> memref<128xi32, #tpu.memory_space<hbm>>
        tpu.enqueue_dma source(%dma_start3A_309 : memref<128xi32, #tpu.memory_space<hbm>>) target(%dma_start3A_308 : memref<128xi32, #tpu.memory_space<vmem>>) target_semaphore(%run_scoped3A_301 : memref<!tpu.dma_semaphore, #tpu.memory_space<semaphore_mem>>)
        %dma_wait3A_310 = arith.constant 0 : i32
        %dma_wait3A_311 = tpu.memref_slice %arg10[%run_scoped3A_18, %dma_wait3A_310] : memref<10x128xi32, #tpu.memory_space<vmem>> -> memref<1x128xi32, #tpu.memory_space<vmem>>
        %dma_wait3A_312 = tpu.memref_squeeze %dma_wait3A_311 : memref<1x128xi32, #tpu.memory_space<vmem>> -> memref<128xi32, #tpu.memory_space<vmem>>
        %dma_wait3A_313 = tpu.memref_slice %arg4[%add3A_17] : memref<163840xi32, #tpu.memory_space<hbm>> -> memref<128xi32, #tpu.memory_space<hbm>>
        %dma_wait3A_314 = arith.constant 0 : i32
        %dma_wait3A_315 = tpu.memref_slice %arg10[%run_scoped3A_18, %dma_wait3A_314] : memref<10x128xi32, #tpu.memory_space<vmem>> -> memref<1x128xi32, #tpu.memory_space<vmem>>
        %dma_wait3A_316 = tpu.memref_squeeze %dma_wait3A_315 : memref<1x128xi32, #tpu.memory_space<vmem>> -> memref<128xi32, #tpu.memory_space<vmem>>
        %dma_wait3A_317 = tpu.memref_slice %arg4[%add3A_17] : memref<163840xi32, #tpu.memory_space<hbm>> -> memref<128xi32, #tpu.memory_space<hbm>>
        tpu.wait_dma2 semaphore(%run_scoped3A_301 : memref<!tpu.dma_semaphore, #tpu.memory_space<semaphore_mem>>) src(%dma_wait3A_317 : memref<128xi32, #tpu.memory_space<hbm>>) dst(%dma_wait3A_316 : memref<128xi32, #tpu.memory_space<vmem>>)
        tpu.yield
      }) : () -> ()
      %add3A_19 = arith.constant 32768 : i32
      %add3A_20 = arith.addi %add3A_19, %add3A_13 : i32
      %run_scoped3A_21 = arith.constant 2 : i32
      "tpu.region"() ({
        %run_scoped3A_301 = tpu.sem_alloc : memref<!tpu.dma_semaphore, #tpu.memory_space<semaphore_mem>>
        %dma_start3A_302 = arith.constant 0 : i32
        %dma_start3A_303 = tpu.memref_slice %arg10[%run_scoped3A_21, %dma_start3A_302] : memref<10x128xi32, #tpu.memory_space<vmem>> -> memref<1x128xi32, #tpu.memory_space<vmem>>
        %dma_start3A_304 = tpu.memref_squeeze %dma_start3A_303 : memref<1x128xi32, #tpu.memory_space<vmem>> -> memref<128xi32, #tpu.memory_space<vmem>>
        %dma_start3A_305 = tpu.memref_slice %arg4[%add3A_20] : memref<163840xi32, #tpu.memory_space<hbm>> -> memref<128xi32, #tpu.memory_space<hbm>>
        %dma_start3A_306 = arith.constant 0 : i32
        %dma_start3A_307 = tpu.memref_slice %arg10[%run_scoped3A_21, %dma_start3A_306] : memref<10x128xi32, #tpu.memory_space<vmem>> -> memref<1x128xi32, #tpu.memory_space<vmem>>
        %dma_start3A_308 = tpu.memref_squeeze %dma_start3A_307 : memref<1x128xi32, #tpu.memory_space<vmem>> -> memref<128xi32, #tpu.memory_space<vmem>>
        %dma_start3A_309 = tpu.memref_slice %arg4[%add3A_20] : memref<163840xi32, #tpu.memory_space<hbm>> -> memref<128xi32, #tpu.memory_space<hbm>>
        tpu.enqueue_dma source(%dma_start3A_309 : memref<128xi32, #tpu.memory_space<hbm>>) target(%dma_start3A_308 : memref<128xi32, #tpu.memory_space<vmem>>) target_semaphore(%run_scoped3A_301 : memref<!tpu.dma_semaphore, #tpu.memory_space<semaphore_mem>>)
        %dma_wait3A_310 = arith.constant 0 : i32
        %dma_wait3A_311 = tpu.memref_slice %arg10[%run_scoped3A_21, %dma_wait3A_310] : memref<10x128xi32, #tpu.memory_space<vmem>> -> memref<1x128xi32, #tpu.memory_space<vmem>>
        %dma_wait3A_312 = tpu.memref_squeeze %dma_wait3A_311 : memref<1x128xi32, #tpu.memory_space<vmem>> -> memref<128xi32, #tpu.memory_space<vmem>>
        %dma_wait3A_313 = tpu.memref_slice %arg4[%add3A_20] : memref<163840xi32, #tpu.memory_space<hbm>> -> memref<128xi32, #tpu.memory_space<hbm>>
        %dma_wait3A_314 = arith.constant 0 : i32
        %dma_wait3A_315 = tpu.memref_slice %arg10[%run_scoped3A_21, %dma_wait3A_314] : memref<10x128xi32, #tpu.memory_space<vmem>> -> memref<1x128xi32, #tpu.memory_space<vmem>>
        %dma_wait3A_316 = tpu.memref_squeeze %dma_wait3A_315 : memref<1x128xi32, #tpu.memory_space<vmem>> -> memref<128xi32, #tpu.memory_space<vmem>>
        %dma_wait3A_317 = tpu.memref_slice %arg4[%add3A_20] : memref<163840xi32, #tpu.memory_space<hbm>> -> memref<128xi32, #tpu.memory_space<hbm>>
        tpu.wait_dma2 semaphore(%run_scoped3A_301 : memref<!tpu.dma_semaphore, #tpu.memory_space<semaphore_mem>>) src(%dma_wait3A_317 : memref<128xi32, #tpu.memory_space<hbm>>) dst(%dma_wait3A_316 : memref<128xi32, #tpu.memory_space<vmem>>)
        tpu.yield
      }) : () -> ()
      %add3A_22 = arith.constant 49152 : i32
      %add3A_23 = arith.addi %add3A_22, %add3A_13 : i32
      %run_scoped3A_24 = arith.constant 3 : i32
      "tpu.region"() ({
        %run_scoped3A_301 = tpu.sem_alloc : memref<!tpu.dma_semaphore, #tpu.memory_space<semaphore_mem>>
        %dma_start3A_302 = arith.constant 0 : i32
        %dma_start3A_303 = tpu.memref_slice %arg10[%run_scoped3A_24, %dma_start3A_302] : memref<10x128xi32, #tpu.memory_space<vmem>> -> memref<1x128xi32, #tpu.memory_space<vmem>>
        %dma_start3A_304 = tpu.memref_squeeze %dma_start3A_303 : memref<1x128xi32, #tpu.memory_space<vmem>> -> memref<128xi32, #tpu.memory_space<vmem>>
        %dma_start3A_305 = tpu.memref_slice %arg4[%add3A_23] : memref<163840xi32, #tpu.memory_space<hbm>> -> memref<128xi32, #tpu.memory_space<hbm>>
        %dma_start3A_306 = arith.constant 0 : i32
        %dma_start3A_307 = tpu.memref_slice %arg10[%run_scoped3A_24, %dma_start3A_306] : memref<10x128xi32, #tpu.memory_space<vmem>> -> memref<1x128xi32, #tpu.memory_space<vmem>>
        %dma_start3A_308 = tpu.memref_squeeze %dma_start3A_307 : memref<1x128xi32, #tpu.memory_space<vmem>> -> memref<128xi32, #tpu.memory_space<vmem>>
        %dma_start3A_309 = tpu.memref_slice %arg4[%add3A_23] : memref<163840xi32, #tpu.memory_space<hbm>> -> memref<128xi32, #tpu.memory_space<hbm>>
        tpu.enqueue_dma source(%dma_start3A_309 : memref<128xi32, #tpu.memory_space<hbm>>) target(%dma_start3A_308 : memref<128xi32, #tpu.memory_space<vmem>>) target_semaphore(%run_scoped3A_301 : memref<!tpu.dma_semaphore, #tpu.memory_space<semaphore_mem>>)
        %dma_wait3A_310 = arith.constant 0 : i32
        %dma_wait3A_311 = tpu.memref_slice %arg10[%run_scoped3A_24, %dma_wait3A_310] : memref<10x128xi32, #tpu.memory_space<vmem>> -> memref<1x128xi32, #tpu.memory_space<vmem>>
        %dma_wait3A_312 = tpu.memref_squeeze %dma_wait3A_311 : memref<1x128xi32, #tpu.memory_space<vmem>> -> memref<128xi32, #tpu.memory_space<vmem>>
        %dma_wait3A_313 = tpu.memref_slice %arg4[%add3A_23] : memref<163840xi32, #tpu.memory_space<hbm>> -> memref<128xi32, #tpu.memory_space<hbm>>
        %dma_wait3A_314 = arith.constant 0 : i32
        %dma_wait3A_315 = tpu.memref_slice %arg10[%run_scoped3A_24, %dma_wait3A_314] : memref<10x128xi32, #tpu.memory_space<vmem>> -> memref<1x128xi32, #tpu.memory_space<vmem>>
        %dma_wait3A_316 = tpu.memref_squeeze %dma_wait3A_315 : memref<1x128xi32, #tpu.memory_space<vmem>> -> memref<128xi32, #tpu.memory_space<vmem>>
        %dma_wait3A_317 = tpu.memref_slice %arg4[%add3A_23] : memref<163840xi32, #tpu.memory_space<hbm>> -> memref<128xi32, #tpu.memory_space<hbm>>
        tpu.wait_dma2 semaphore(%run_scoped3A_301 : memref<!tpu.dma_semaphore, #tpu.memory_space<semaphore_mem>>) src(%dma_wait3A_317 : memref<128xi32, #tpu.memory_space<hbm>>) dst(%dma_wait3A_316 : memref<128xi32, #tpu.memory_space<vmem>>)
        tpu.yield
      }) : () -> ()
      %add3A_25 = arith.constant 65536 : i32
      %add3A_26 = arith.addi %add3A_25, %add3A_13 : i32
      %run_scoped3A_27 = arith.constant 4 : i32
      "tpu.region"() ({
        %run_scoped3A_301 = tpu.sem_alloc : memref<!tpu.dma_semaphore, #tpu.memory_space<semaphore_mem>>
        %dma_start3A_302 = arith.constant 0 : i32
        %dma_start3A_303 = tpu.memref_slice %arg10[%run_scoped3A_27, %dma_start3A_302] : memref<10x128xi32, #tpu.memory_space<vmem>> -> memref<1x128xi32, #tpu.memory_space<vmem>>
        %dma_start3A_304 = tpu.memref_squeeze %dma_start3A_303 : memref<1x128xi32, #tpu.memory_space<vmem>> -> memref<128xi32, #tpu.memory_space<vmem>>
        %dma_start3A_305 = tpu.memref_slice %arg4[%add3A_26] : memref<163840xi32, #tpu.memory_space<hbm>> -> memref<128xi32, #tpu.memory_space<hbm>>
        %dma_start3A_306 = arith.constant 0 : i32
        %dma_start3A_307 = tpu.memref_slice %arg10[%run_scoped3A_27, %dma_start3A_306] : memref<10x128xi32, #tpu.memory_space<vmem>> -> memref<1x128xi32, #tpu.memory_space<vmem>>
        %dma_start3A_308 = tpu.memref_squeeze %dma_start3A_307 : memref<1x128xi32, #tpu.memory_space<vmem>> -> memref<128xi32, #tpu.memory_space<vmem>>
        %dma_start3A_309 = tpu.memref_slice %arg4[%add3A_26] : memref<163840xi32, #tpu.memory_space<hbm>> -> memref<128xi32, #tpu.memory_space<hbm>>
        tpu.enqueue_dma source(%dma_start3A_309 : memref<128xi32, #tpu.memory_space<hbm>>) target(%dma_start3A_308 : memref<128xi32, #tpu.memory_space<vmem>>) target_semaphore(%run_scoped3A_301 : memref<!tpu.dma_semaphore, #tpu.memory_space<semaphore_mem>>)
        %dma_wait3A_310 = arith.constant 0 : i32
        %dma_wait3A_311 = tpu.memref_slice %arg10[%run_scoped3A_27, %dma_wait3A_310] : memref<10x128xi32, #tpu.memory_space<vmem>> -> memref<1x128xi32, #tpu.memory_space<vmem>>
        %dma_wait3A_312 = tpu.memref_squeeze %dma_wait3A_311 : memref<1x128xi32, #tpu.memory_space<vmem>> -> memref<128xi32, #tpu.memory_space<vmem>>
        %dma_wait3A_313 = tpu.memref_slice %arg4[%add3A_26] : memref<163840xi32, #tpu.memory_space<hbm>> -> memref<128xi32, #tpu.memory_space<hbm>>
        %dma_wait3A_314 = arith.constant 0 : i32
        %dma_wait3A_315 = tpu.memref_slice %arg10[%run_scoped3A_27, %dma_wait3A_314] : memref<10x128xi32, #tpu.memory_space<vmem>> -> memref<1x128xi32, #tpu.memory_space<vmem>>
        %dma_wait3A_316 = tpu.memref_squeeze %dma_wait3A_315 : memref<1x128xi32, #tpu.memory_space<vmem>> -> memref<128xi32, #tpu.memory_space<vmem>>
        %dma_wait3A_317 = tpu.memref_slice %arg4[%add3A_26] : memref<163840xi32, #tpu.memory_space<hbm>> -> memref<128xi32, #tpu.memory_space<hbm>>
        tpu.wait_dma2 semaphore(%run_scoped3A_301 : memref<!tpu.dma_semaphore, #tpu.memory_space<semaphore_mem>>) src(%dma_wait3A_317 : memref<128xi32, #tpu.memory_space<hbm>>) dst(%dma_wait3A_316 : memref<128xi32, #tpu.memory_space<vmem>>)
        tpu.yield
      }) : () -> ()
      %add3A_28 = arith.constant 81920 : i32
      %add3A_29 = arith.addi %add3A_28, %add3A_13 : i32
      %run_scoped3A_30 = arith.constant 5 : i32
      "tpu.region"() ({
        %run_scoped3A_301 = tpu.sem_alloc : memref<!tpu.dma_semaphore, #tpu.memory_space<semaphore_mem>>
        %dma_start3A_302 = arith.constant 0 : i32
        %dma_start3A_303 = tpu.memref_slice %arg10[%run_scoped3A_30, %dma_start3A_302] : memref<10x128xi32, #tpu.memory_space<vmem>> -> memref<1x128xi32, #tpu.memory_space<vmem>>
        %dma_start3A_304 = tpu.memref_squeeze %dma_start3A_303 : memref<1x128xi32, #tpu.memory_space<vmem>> -> memref<128xi32, #tpu.memory_space<vmem>>
        %dma_start3A_305 = tpu.memref_slice %arg4[%add3A_29] : memref<163840xi32, #tpu.memory_space<hbm>> -> memref<128xi32, #tpu.memory_space<hbm>>
        %dma_start3A_306 = arith.constant 0 : i32
        %dma_start3A_307 = tpu.memref_slice %arg10[%run_scoped3A_30, %dma_start3A_306] : memref<10x128xi32, #tpu.memory_space<vmem>> -> memref<1x128xi32, #tpu.memory_space<vmem>>
        %dma_start3A_308 = tpu.memref_squeeze %dma_start3A_307 : memref<1x128xi32, #tpu.memory_space<vmem>> -> memref<128xi32, #tpu.memory_space<vmem>>
        %dma_start3A_309 = tpu.memref_slice %arg4[%add3A_29] : memref<163840xi32, #tpu.memory_space<hbm>> -> memref<128xi32, #tpu.memory_space<hbm>>
        tpu.enqueue_dma source(%dma_start3A_309 : memref<128xi32, #tpu.memory_space<hbm>>) target(%dma_start3A_308 : memref<128xi32, #tpu.memory_space<vmem>>) target_semaphore(%run_scoped3A_301 : memref<!tpu.dma_semaphore, #tpu.memory_space<semaphore_mem>>)
        %dma_wait3A_310 = arith.constant 0 : i32
        %dma_wait3A_311 = tpu.memref_slice %arg10[%run_scoped3A_30, %dma_wait3A_310] : memref<10x128xi32, #tpu.memory_space<vmem>> -> memref<1x128xi32, #tpu.memory_space<vmem>>
        %dma_wait3A_312 = tpu.memref_squeeze %dma_wait3A_311 : memref<1x128xi32, #tpu.memory_space<vmem>> -> memref<128xi32, #tpu.memory_space<vmem>>
        %dma_wait3A_313 = tpu.memref_slice %arg4[%add3A_29] : memref<163840xi32, #tpu.memory_space<hbm>> -> memref<128xi32, #tpu.memory_space<hbm>>
        %dma_wait3A_314 = arith.constant 0 : i32
        %dma_wait3A_315 = tpu.memref_slice %arg10[%run_scoped3A_30, %dma_wait3A_314] : memref<10x128xi32, #tpu.memory_space<vmem>> -> memref<1x128xi32, #tpu.memory_space<vmem>>
        %dma_wait3A_316 = tpu.memref_squeeze %dma_wait3A_315 : memref<1x128xi32, #tpu.memory_space<vmem>> -> memref<128xi32, #tpu.memory_space<vmem>>
        %dma_wait3A_317 = tpu.memref_slice %arg4[%add3A_29] : memref<163840xi32, #tpu.memory_space<hbm>> -> memref<128xi32, #tpu.memory_space<hbm>>
        tpu.wait_dma2 semaphore(%run_scoped3A_301 : memref<!tpu.dma_semaphore, #tpu.memory_space<semaphore_mem>>) src(%dma_wait3A_317 : memref<128xi32, #tpu.memory_space<hbm>>) dst(%dma_wait3A_316 : memref<128xi32, #tpu.memory_space<vmem>>)
        tpu.yield
      }) : () -> ()
      %add3A_31 = arith.constant 98304 : i32
      %add3A_32 = arith.addi %add3A_31, %add3A_13 : i32
      %run_scoped3A_33 = arith.constant 6 : i32
      "tpu.region"() ({
        %run_scoped3A_301 = tpu.sem_alloc : memref<!tpu.dma_semaphore, #tpu.memory_space<semaphore_mem>>
        %dma_start3A_302 = arith.constant 0 : i32
        %dma_start3A_303 = tpu.memref_slice %arg10[%run_scoped3A_33, %dma_start3A_302] : memref<10x128xi32, #tpu.memory_space<vmem>> -> memref<1x128xi32, #tpu.memory_space<vmem>>
        %dma_start3A_304 = tpu.memref_squeeze %dma_start3A_303 : memref<1x128xi32, #tpu.memory_space<vmem>> -> memref<128xi32, #tpu.memory_space<vmem>>
        %dma_start3A_305 = tpu.memref_slice %arg4[%add3A_32] : memref<163840xi32, #tpu.memory_space<hbm>> -> memref<128xi32, #tpu.memory_space<hbm>>
        %dma_start3A_306 = arith.constant 0 : i32
        %dma_start3A_307 = tpu.memref_slice %arg10[%run_scoped3A_33, %dma_start3A_306] : memref<10x128xi32, #tpu.memory_space<vmem>> -> memref<1x128xi32, #tpu.memory_space<vmem>>
        %dma_start3A_308 = tpu.memref_squeeze %dma_start3A_307 : memref<1x128xi32, #tpu.memory_space<vmem>> -> memref<128xi32, #tpu.memory_space<vmem>>
        %dma_start3A_309 = tpu.memref_slice %arg4[%add3A_32] : memref<163840xi32, #tpu.memory_space<hbm>> -> memref<128xi32, #tpu.memory_space<hbm>>
        tpu.enqueue_dma source(%dma_start3A_309 : memref<128xi32, #tpu.memory_space<hbm>>) target(%dma_start3A_308 : memref<128xi32, #tpu.memory_space<vmem>>) target_semaphore(%run_scoped3A_301 : memref<!tpu.dma_semaphore, #tpu.memory_space<semaphore_mem>>)
        %dma_wait3A_310 = arith.constant 0 : i32
        %dma_wait3A_311 = tpu.memref_slice %arg10[%run_scoped3A_33, %dma_wait3A_310] : memref<10x128xi32, #tpu.memory_space<vmem>> -> memref<1x128xi32, #tpu.memory_space<vmem>>
        %dma_wait3A_312 = tpu.memref_squeeze %dma_wait3A_311 : memref<1x128xi32, #tpu.memory_space<vmem>> -> memref<128xi32, #tpu.memory_space<vmem>>
        %dma_wait3A_313 = tpu.memref_slice %arg4[%add3A_32] : memref<163840xi32, #tpu.memory_space<hbm>> -> memref<128xi32, #tpu.memory_space<hbm>>
        %dma_wait3A_314 = arith.constant 0 : i32
        %dma_wait3A_315 = tpu.memref_slice %arg10[%run_scoped3A_33, %dma_wait3A_314] : memref<10x128xi32, #tpu.memory_space<vmem>> -> memref<1x128xi32, #tpu.memory_space<vmem>>
        %dma_wait3A_316 = tpu.memref_squeeze %dma_wait3A_315 : memref<1x128xi32, #tpu.memory_space<vmem>> -> memref<128xi32, #tpu.memory_space<vmem>>
        %dma_wait3A_317 = tpu.memref_slice %arg4[%add3A_32] : memref<163840xi32, #tpu.memory_space<hbm>> -> memref<128xi32, #tpu.memory_space<hbm>>
        tpu.wait_dma2 semaphore(%run_scoped3A_301 : memref<!tpu.dma_semaphore, #tpu.memory_space<semaphore_mem>>) src(%dma_wait3A_317 : memref<128xi32, #tpu.memory_space<hbm>>) dst(%dma_wait3A_316 : memref<128xi32, #tpu.memory_space<vmem>>)
        tpu.yield
      }) : () -> ()
      %add3A_34 = arith.constant 114688 : i32
      %add3A_35 = arith.addi %add3A_34, %add3A_13 : i32
      %run_scoped3A_36 = arith.constant 7 : i32
      "tpu.region"() ({
        %run_scoped3A_301 = tpu.sem_alloc : memref<!tpu.dma_semaphore, #tpu.memory_space<semaphore_mem>>
        %dma_start3A_302 = arith.constant 0 : i32
        %dma_start3A_303 = tpu.memref_slice %arg10[%run_scoped3A_36, %dma_start3A_302] : memref<10x128xi32, #tpu.memory_space<vmem>> -> memref<1x128xi32, #tpu.memory_space<vmem>>
        %dma_start3A_304 = tpu.memref_squeeze %dma_start3A_303 : memref<1x128xi32, #tpu.memory_space<vmem>> -> memref<128xi32, #tpu.memory_space<vmem>>
        %dma_start3A_305 = tpu.memref_slice %arg4[%add3A_35] : memref<163840xi32, #tpu.memory_space<hbm>> -> memref<128xi32, #tpu.memory_space<hbm>>
        %dma_start3A_306 = arith.constant 0 : i32
        %dma_start3A_307 = tpu.memref_slice %arg10[%run_scoped3A_36, %dma_start3A_306] : memref<10x128xi32, #tpu.memory_space<vmem>> -> memref<1x128xi32, #tpu.memory_space<vmem>>
        %dma_start3A_308 = tpu.memref_squeeze %dma_start3A_307 : memref<1x128xi32, #tpu.memory_space<vmem>> -> memref<128xi32, #tpu.memory_space<vmem>>
        %dma_start3A_309 = tpu.memref_slice %arg4[%add3A_35] : memref<163840xi32, #tpu.memory_space<hbm>> -> memref<128xi32, #tpu.memory_space<hbm>>
        tpu.enqueue_dma source(%dma_start3A_309 : memref<128xi32, #tpu.memory_space<hbm>>) target(%dma_start3A_308 : memref<128xi32, #tpu.memory_space<vmem>>) target_semaphore(%run_scoped3A_301 : memref<!tpu.dma_semaphore, #tpu.memory_space<semaphore_mem>>)
        %dma_wait3A_310 = arith.constant 0 : i32
        %dma_wait3A_311 = tpu.memref_slice %arg10[%run_scoped3A_36, %dma_wait3A_310] : memref<10x128xi32, #tpu.memory_space<vmem>> -> memref<1x128xi32, #tpu.memory_space<vmem>>
        %dma_wait3A_312 = tpu.memref_squeeze %dma_wait3A_311 : memref<1x128xi32, #tpu.memory_space<vmem>> -> memref<128xi32, #tpu.memory_space<vmem>>
        %dma_wait3A_313 = tpu.memref_slice %arg4[%add3A_35] : memref<163840xi32, #tpu.memory_space<hbm>> -> memref<128xi32, #tpu.memory_space<hbm>>
        %dma_wait3A_314 = arith.constant 0 : i32
        %dma_wait3A_315 = tpu.memref_slice %arg10[%run_scoped3A_36, %dma_wait3A_314] : memref<10x128xi32, #tpu.memory_space<vmem>> -> memref<1x128xi32, #tpu.memory_space<vmem>>
        %dma_wait3A_316 = tpu.memref_squeeze %dma_wait3A_315 : memref<1x128xi32, #tpu.memory_space<vmem>> -> memref<128xi32, #tpu.memory_space<vmem>>
        %dma_wait3A_317 = tpu.memref_slice %arg4[%add3A_35] : memref<163840xi32, #tpu.memory_space<hbm>> -> memref<128xi32, #tpu.memory_space<hbm>>
        tpu.wait_dma2 semaphore(%run_scoped3A_301 : memref<!tpu.dma_semaphore, #tpu.memory_space<semaphore_mem>>) src(%dma_wait3A_317 : memref<128xi32, #tpu.memory_space<hbm>>) dst(%dma_wait3A_316 : memref<128xi32, #tpu.memory_space<vmem>>)
        tpu.yield
      }) : () -> ()
      %add3A_37 = arith.constant 131072 : i32
      %add3A_38 = arith.addi %add3A_37, %add3A_13 : i32
      %run_scoped3A_39 = arith.constant 8 : i32
      "tpu.region"() ({
        %run_scoped3A_301 = tpu.sem_alloc : memref<!tpu.dma_semaphore, #tpu.memory_space<semaphore_mem>>
        %dma_start3A_302 = arith.constant 0 : i32
        %dma_start3A_303 = tpu.memref_slice %arg10[%run_scoped3A_39, %dma_start3A_302] : memref<10x128xi32, #tpu.memory_space<vmem>> -> memref<1x128xi32, #tpu.memory_space<vmem>>
        %dma_start3A_304 = tpu.memref_squeeze %dma_start3A_303 : memref<1x128xi32, #tpu.memory_space<vmem>> -> memref<128xi32, #tpu.memory_space<vmem>>
        %dma_start3A_305 = tpu.memref_slice %arg4[%add3A_38] : memref<163840xi32, #tpu.memory_space<hbm>> -> memref<128xi32, #tpu.memory_space<hbm>>
        %dma_start3A_306 = arith.constant 0 : i32
        %dma_start3A_307 = tpu.memref_slice %arg10[%run_scoped3A_39, %dma_start3A_306] : memref<10x128xi32, #tpu.memory_space<vmem>> -> memref<1x128xi32, #tpu.memory_space<vmem>>
        %dma_start3A_308 = tpu.memref_squeeze %dma_start3A_307 : memref<1x128xi32, #tpu.memory_space<vmem>> -> memref<128xi32, #tpu.memory_space<vmem>>
        %dma_start3A_309 = tpu.memref_slice %arg4[%add3A_38] : memref<163840xi32, #tpu.memory_space<hbm>> -> memref<128xi32, #tpu.memory_space<hbm>>
        tpu.enqueue_dma source(%dma_start3A_309 : memref<128xi32, #tpu.memory_space<hbm>>) target(%dma_start3A_308 : memref<128xi32, #tpu.memory_space<vmem>>) target_semaphore(%run_scoped3A_301 : memref<!tpu.dma_semaphore, #tpu.memory_space<semaphore_mem>>)
        %dma_wait3A_310 = arith.constant 0 : i32
        %dma_wait3A_311 = tpu.memref_slice %arg10[%run_scoped3A_39, %dma_wait3A_310] : memref<10x128xi32, #tpu.memory_space<vmem>> -> memref<1x128xi32, #tpu.memory_space<vmem>>
        %dma_wait3A_312 = tpu.memref_squeeze %dma_wait3A_311 : memref<1x128xi32, #tpu.memory_space<vmem>> -> memref<128xi32, #tpu.memory_space<vmem>>
        %dma_wait3A_313 = tpu.memref_slice %arg4[%add3A_38] : memref<163840xi32, #tpu.memory_space<hbm>> -> memref<128xi32, #tpu.memory_space<hbm>>
        %dma_wait3A_314 = arith.constant 0 : i32
        %dma_wait3A_315 = tpu.memref_slice %arg10[%run_scoped3A_39, %dma_wait3A_314] : memref<10x128xi32, #tpu.memory_space<vmem>> -> memref<1x128xi32, #tpu.memory_space<vmem>>
        %dma_wait3A_316 = tpu.memref_squeeze %dma_wait3A_315 : memref<1x128xi32, #tpu.memory_space<vmem>> -> memref<128xi32, #tpu.memory_space<vmem>>
        %dma_wait3A_317 = tpu.memref_slice %arg4[%add3A_38] : memref<163840xi32, #tpu.memory_space<hbm>> -> memref<128xi32, #tpu.memory_space<hbm>>
        tpu.wait_dma2 semaphore(%run_scoped3A_301 : memref<!tpu.dma_semaphore, #tpu.memory_space<semaphore_mem>>) src(%dma_wait3A_317 : memref<128xi32, #tpu.memory_space<hbm>>) dst(%dma_wait3A_316 : memref<128xi32, #tpu.memory_space<vmem>>)
        tpu.yield
      }) : () -> ()
      %add3A_40 = arith.constant 147456 : i32
      %add3A_41 = arith.addi %add3A_40, %add3A_13 : i32
      %run_scoped3A_42 = arith.constant 9 : i32
      "tpu.region"() ({
        %run_scoped3A_301 = tpu.sem_alloc : memref<!tpu.dma_semaphore, #tpu.memory_space<semaphore_mem>>
        %dma_start3A_302 = arith.constant 0 : i32
        %dma_start3A_303 = tpu.memref_slice %arg10[%run_scoped3A_42, %dma_start3A_302] : memref<10x128xi32, #tpu.memory_space<vmem>> -> memref<1x128xi32, #tpu.memory_space<vmem>>
        %dma_start3A_304 = tpu.memref_squeeze %dma_start3A_303 : memref<1x128xi32, #tpu.memory_space<vmem>> -> memref<128xi32, #tpu.memory_space<vmem>>
        %dma_start3A_305 = tpu.memref_slice %arg4[%add3A_41] : memref<163840xi32, #tpu.memory_space<hbm>> -> memref<128xi32, #tpu.memory_space<hbm>>
        %dma_start3A_306 = arith.constant 0 : i32
        %dma_start3A_307 = tpu.memref_slice %arg10[%run_scoped3A_42, %dma_start3A_306] : memref<10x128xi32, #tpu.memory_space<vmem>> -> memref<1x128xi32, #tpu.memory_space<vmem>>
        %dma_start3A_308 = tpu.memref_squeeze %dma_start3A_307 : memref<1x128xi32, #tpu.memory_space<vmem>> -> memref<128xi32, #tpu.memory_space<vmem>>
        %dma_start3A_309 = tpu.memref_slice %arg4[%add3A_41] : memref<163840xi32, #tpu.memory_space<hbm>> -> memref<128xi32, #tpu.memory_space<hbm>>
        tpu.enqueue_dma source(%dma_start3A_309 : memref<128xi32, #tpu.memory_space<hbm>>) target(%dma_start3A_308 : memref<128xi32, #tpu.memory_space<vmem>>) target_semaphore(%run_scoped3A_301 : memref<!tpu.dma_semaphore, #tpu.memory_space<semaphore_mem>>)
        %dma_wait3A_310 = arith.constant 0 : i32
        %dma_wait3A_311 = tpu.memref_slice %arg10[%run_scoped3A_42, %dma_wait3A_310] : memref<10x128xi32, #tpu.memory_space<vmem>> -> memref<1x128xi32, #tpu.memory_space<vmem>>
        %dma_wait3A_312 = tpu.memref_squeeze %dma_wait3A_311 : memref<1x128xi32, #tpu.memory_space<vmem>> -> memref<128xi32, #tpu.memory_space<vmem>>
        %dma_wait3A_313 = tpu.memref_slice %arg4[%add3A_41] : memref<163840xi32, #tpu.memory_space<hbm>> -> memref<128xi32, #tpu.memory_space<hbm>>
        %dma_wait3A_314 = arith.constant 0 : i32
        %dma_wait3A_315 = tpu.memref_slice %arg10[%run_scoped3A_42, %dma_wait3A_314] : memref<10x128xi32, #tpu.memory_space<vmem>> -> memref<1x128xi32, #tpu.memory_space<vmem>>
        %dma_wait3A_316 = tpu.memref_squeeze %dma_wait3A_315 : memref<1x128xi32, #tpu.memory_space<vmem>> -> memref<128xi32, #tpu.memory_space<vmem>>
        %dma_wait3A_317 = tpu.memref_slice %arg4[%add3A_41] : memref<163840xi32, #tpu.memory_space<hbm>> -> memref<128xi32, #tpu.memory_space<hbm>>
        tpu.wait_dma2 semaphore(%run_scoped3A_301 : memref<!tpu.dma_semaphore, #tpu.memory_space<semaphore_mem>>) src(%dma_wait3A_317 : memref<128xi32, #tpu.memory_space<hbm>>) dst(%dma_wait3A_316 : memref<128xi32, #tpu.memory_space<vmem>>)
        tpu.yield
      }) : () -> ()
      %dma_start3A = arith.constant 0 : i32
      %dma_start3A_43 = arith.constant 0 : i32
      %dma_start3A_44 = tpu.memref_slice %arg5[%dma_start3A, %dma_start3A_43] : memref<1000000x64xf32, #tpu.memory_space<hbm>> -> memref<1000000x64xf32, #tpu.memory_space<hbm>>
      tpu.enqueue_indirect_dma source(%dma_start3A_44 : memref<1000000x64xf32, #tpu.memory_space<hbm>>) target(%arg11 : memref<128x64xf32, #tpu.memory_space<vmem>>) offsets(%arg8 : memref<128xi32, #tpu.memory_space<vmem>>) semaphore(%arg15 : memref<!tpu.dma_semaphore, #tpu.memory_space<semaphore_mem>>)
      %dma_start3A_45 = arith.constant 0 : i32
      %dma_start3A_46 = arith.constant 0 : i32
      %dma_start3A_47 = tpu.memref_slice %arg6[%dma_start3A_45, %dma_start3A_46] : memref<1000000x64xf32, #tpu.memory_space<hbm>> -> memref<1000000x64xf32, #tpu.memory_space<hbm>>
      tpu.enqueue_indirect_dma source(%dma_start3A_47 : memref<1000000x64xf32, #tpu.memory_space<hbm>>) target(%arg12 : memref<128x64xf32, #tpu.memory_space<vmem>>) offsets(%arg9 : memref<128xi32, #tpu.memory_space<vmem>>) semaphore(%arg15 : memref<!tpu.dma_semaphore, #tpu.memory_space<semaphore_mem>>)
      %dma_start3A_48 = arith.constant 0 : i32
      %dma_start3A_49 = arith.constant 0 : i32
      %dma_start3A_50 = arith.constant 0 : i32
      %dma_start3A_51 = arith.constant 0 : i32
      %dma_start3A_52 = tpu.memref_slice %arg13[%dma_start3A_49, %dma_start3A_50, %dma_start3A_51] : memref<10x128x64xf32, #tpu.memory_space<vmem>> -> memref<1x128x64xf32, #tpu.memory_space<vmem>>
      %dma_start3A_53 = tpu.memref_squeeze %dma_start3A_52 : memref<1x128x64xf32, #tpu.memory_space<vmem>> -> memref<128x64xf32, #tpu.memory_space<vmem>>
      %dma_start3A_54 = arith.constant 0 : i32
      %dma_start3A_55 = tpu.memref_slice %arg10[%dma_start3A_48, %dma_start3A_54] : memref<10x128xi32, #tpu.memory_space<vmem>> -> memref<1x128xi32, #tpu.memory_space<vmem>>
      %dma_start3A_56 = tpu.memref_squeeze %dma_start3A_55 : memref<1x128xi32, #tpu.memory_space<vmem>> -> memref<128xi32, #tpu.memory_space<vmem>>
      %dma_start3A_57 = arith.constant 0 : i32
      %dma_start3A_58 = arith.constant 0 : i32
      %dma_start3A_59 = tpu.memref_slice %arg6[%dma_start3A_57, %dma_start3A_58] : memref<1000000x64xf32, #tpu.memory_space<hbm>> -> memref<1000000x64xf32, #tpu.memory_space<hbm>>
      tpu.enqueue_indirect_dma source(%dma_start3A_59 : memref<1000000x64xf32, #tpu.memory_space<hbm>>) target(%dma_start3A_53 : memref<128x64xf32, #tpu.memory_space<vmem>>) offsets(%dma_start3A_56 : memref<128xi32, #tpu.memory_space<vmem>>) semaphore(%arg15 : memref<!tpu.dma_semaphore, #tpu.memory_space<semaphore_mem>>)
      %dma_start3A_60 = arith.constant 1 : i32
      %dma_start3A_61 = arith.constant 1 : i32
      %dma_start3A_62 = arith.constant 0 : i32
      %dma_start3A_63 = arith.constant 0 : i32
      %dma_start3A_64 = tpu.memref_slice %arg13[%dma_start3A_61, %dma_start3A_62, %dma_start3A_63] : memref<10x128x64xf32, #tpu.memory_space<vmem>> -> memref<1x128x64xf32, #tpu.memory_space<vmem>>
      %dma_start3A_65 = tpu.memref_squeeze %dma_start3A_64 : memref<1x128x64xf32, #tpu.memory_space<vmem>> -> memref<128x64xf32, #tpu.memory_space<vmem>>
      %dma_start3A_66 = arith.constant 0 : i32
      %dma_start3A_67 = tpu.memref_slice %arg10[%dma_start3A_60, %dma_start3A_66] : memref<10x128xi32, #tpu.memory_space<vmem>> -> memref<1x128xi32, #tpu.memory_space<vmem>>
      %dma_start3A_68 = tpu.memref_squeeze %dma_start3A_67 : memref<1x128xi32, #tpu.memory_space<vmem>> -> memref<128xi32, #tpu.memory_space<vmem>>
      %dma_start3A_69 = arith.constant 0 : i32
      %dma_start3A_70 = arith.constant 0 : i32
      %dma_start3A_71 = tpu.memref_slice %arg6[%dma_start3A_69, %dma_start3A_70] : memref<1000000x64xf32, #tpu.memory_space<hbm>> -> memref<1000000x64xf32, #tpu.memory_space<hbm>>
      tpu.enqueue_indirect_dma source(%dma_start3A_71 : memref<1000000x64xf32, #tpu.memory_space<hbm>>) target(%dma_start3A_65 : memref<128x64xf32, #tpu.memory_space<vmem>>) offsets(%dma_start3A_68 : memref<128xi32, #tpu.memory_space<vmem>>) semaphore(%arg15 : memref<!tpu.dma_semaphore, #tpu.memory_space<semaphore_mem>>)
      %dma_start3A_72 = arith.constant 2 : i32
      %dma_start3A_73 = arith.constant 2 : i32
      %dma_start3A_74 = arith.constant 0 : i32
      %dma_start3A_75 = arith.constant 0 : i32
      %dma_start3A_76 = tpu.memref_slice %arg13[%dma_start3A_73, %dma_start3A_74, %dma_start3A_75] : memref<10x128x64xf32, #tpu.memory_space<vmem>> -> memref<1x128x64xf32, #tpu.memory_space<vmem>>
      %dma_start3A_77 = tpu.memref_squeeze %dma_start3A_76 : memref<1x128x64xf32, #tpu.memory_space<vmem>> -> memref<128x64xf32, #tpu.memory_space<vmem>>
      %dma_start3A_78 = arith.constant 0 : i32
      %dma_start3A_79 = tpu.memref_slice %arg10[%dma_start3A_72, %dma_start3A_78] : memref<10x128xi32, #tpu.memory_space<vmem>> -> memref<1x128xi32, #tpu.memory_space<vmem>>
      %dma_start3A_80 = tpu.memref_squeeze %dma_start3A_79 : memref<1x128xi32, #tpu.memory_space<vmem>> -> memref<128xi32, #tpu.memory_space<vmem>>
      %dma_start3A_81 = arith.constant 0 : i32
      %dma_start3A_82 = arith.constant 0 : i32
      %dma_start3A_83 = tpu.memref_slice %arg6[%dma_start3A_81, %dma_start3A_82] : memref<1000000x64xf32, #tpu.memory_space<hbm>> -> memref<1000000x64xf32, #tpu.memory_space<hbm>>
      tpu.enqueue_indirect_dma source(%dma_start3A_83 : memref<1000000x64xf32, #tpu.memory_space<hbm>>) target(%dma_start3A_77 : memref<128x64xf32, #tpu.memory_space<vmem>>) offsets(%dma_start3A_80 : memref<128xi32, #tpu.memory_space<vmem>>) semaphore(%arg15 : memref<!tpu.dma_semaphore, #tpu.memory_space<semaphore_mem>>)
      %dma_start3A_84 = arith.constant 3 : i32
      %dma_start3A_85 = arith.constant 3 : i32
      %dma_start3A_86 = arith.constant 0 : i32
      %dma_start3A_87 = arith.constant 0 : i32
      %dma_start3A_88 = tpu.memref_slice %arg13[%dma_start3A_85, %dma_start3A_86, %dma_start3A_87] : memref<10x128x64xf32, #tpu.memory_space<vmem>> -> memref<1x128x64xf32, #tpu.memory_space<vmem>>
      %dma_start3A_89 = tpu.memref_squeeze %dma_start3A_88 : memref<1x128x64xf32, #tpu.memory_space<vmem>> -> memref<128x64xf32, #tpu.memory_space<vmem>>
      %dma_start3A_90 = arith.constant 0 : i32
      %dma_start3A_91 = tpu.memref_slice %arg10[%dma_start3A_84, %dma_start3A_90] : memref<10x128xi32, #tpu.memory_space<vmem>> -> memref<1x128xi32, #tpu.memory_space<vmem>>
      %dma_start3A_92 = tpu.memref_squeeze %dma_start3A_91 : memref<1x128xi32, #tpu.memory_space<vmem>> -> memref<128xi32, #tpu.memory_space<vmem>>
      %dma_start3A_93 = arith.constant 0 : i32
      %dma_start3A_94 = arith.constant 0 : i32
      %dma_start3A_95 = tpu.memref_slice %arg6[%dma_start3A_93, %dma_start3A_94] : memref<1000000x64xf32, #tpu.memory_space<hbm>> -> memref<1000000x64xf32, #tpu.memory_space<hbm>>
      tpu.enqueue_indirect_dma source(%dma_start3A_95 : memref<1000000x64xf32, #tpu.memory_space<hbm>>) target(%dma_start3A_89 : memref<128x64xf32, #tpu.memory_space<vmem>>) offsets(%dma_start3A_92 : memref<128xi32, #tpu.memory_space<vmem>>) semaphore(%arg15 : memref<!tpu.dma_semaphore, #tpu.memory_space<semaphore_mem>>)
      %dma_start3A_96 = arith.constant 4 : i32
      %dma_start3A_97 = arith.constant 4 : i32
      %dma_start3A_98 = arith.constant 0 : i32
      %dma_start3A_99 = arith.constant 0 : i32
      %dma_start3A_100 = tpu.memref_slice %arg13[%dma_start3A_97, %dma_start3A_98, %dma_start3A_99] : memref<10x128x64xf32, #tpu.memory_space<vmem>> -> memref<1x128x64xf32, #tpu.memory_space<vmem>>
      %dma_start3A_101 = tpu.memref_squeeze %dma_start3A_100 : memref<1x128x64xf32, #tpu.memory_space<vmem>> -> memref<128x64xf32, #tpu.memory_space<vmem>>
      %dma_start3A_102 = arith.constant 0 : i32
      %dma_start3A_103 = tpu.memref_slice %arg10[%dma_start3A_96, %dma_start3A_102] : memref<10x128xi32, #tpu.memory_space<vmem>> -> memref<1x128xi32, #tpu.memory_space<vmem>>
      %dma_start3A_104 = tpu.memref_squeeze %dma_start3A_103 : memref<1x128xi32, #tpu.memory_space<vmem>> -> memref<128xi32, #tpu.memory_space<vmem>>
      %dma_start3A_105 = arith.constant 0 : i32
      %dma_start3A_106 = arith.constant 0 : i32
      %dma_start3A_107 = tpu.memref_slice %arg6[%dma_start3A_105, %dma_start3A_106] : memref<1000000x64xf32, #tpu.memory_space<hbm>> -> memref<1000000x64xf32, #tpu.memory_space<hbm>>
      tpu.enqueue_indirect_dma source(%dma_start3A_107 : memref<1000000x64xf32, #tpu.memory_space<hbm>>) target(%dma_start3A_101 : memref<128x64xf32, #tpu.memory_space<vmem>>) offsets(%dma_start3A_104 : memref<128xi32, #tpu.memory_space<vmem>>) semaphore(%arg15 : memref<!tpu.dma_semaphore, #tpu.memory_space<semaphore_mem>>)
      %dma_start3A_108 = arith.constant 5 : i32
      %dma_start3A_109 = arith.constant 5 : i32
      %dma_start3A_110 = arith.constant 0 : i32
      %dma_start3A_111 = arith.constant 0 : i32
      %dma_start3A_112 = tpu.memref_slice %arg13[%dma_start3A_109, %dma_start3A_110, %dma_start3A_111] : memref<10x128x64xf32, #tpu.memory_space<vmem>> -> memref<1x128x64xf32, #tpu.memory_space<vmem>>
      %dma_start3A_113 = tpu.memref_squeeze %dma_start3A_112 : memref<1x128x64xf32, #tpu.memory_space<vmem>> -> memref<128x64xf32, #tpu.memory_space<vmem>>
      %dma_start3A_114 = arith.constant 0 : i32
      %dma_start3A_115 = tpu.memref_slice %arg10[%dma_start3A_108, %dma_start3A_114] : memref<10x128xi32, #tpu.memory_space<vmem>> -> memref<1x128xi32, #tpu.memory_space<vmem>>
      %dma_start3A_116 = tpu.memref_squeeze %dma_start3A_115 : memref<1x128xi32, #tpu.memory_space<vmem>> -> memref<128xi32, #tpu.memory_space<vmem>>
      %dma_start3A_117 = arith.constant 0 : i32
      %dma_start3A_118 = arith.constant 0 : i32
      %dma_start3A_119 = tpu.memref_slice %arg6[%dma_start3A_117, %dma_start3A_118] : memref<1000000x64xf32, #tpu.memory_space<hbm>> -> memref<1000000x64xf32, #tpu.memory_space<hbm>>
      tpu.enqueue_indirect_dma source(%dma_start3A_119 : memref<1000000x64xf32, #tpu.memory_space<hbm>>) target(%dma_start3A_113 : memref<128x64xf32, #tpu.memory_space<vmem>>) offsets(%dma_start3A_116 : memref<128xi32, #tpu.memory_space<vmem>>) semaphore(%arg15 : memref<!tpu.dma_semaphore, #tpu.memory_space<semaphore_mem>>)
      %dma_start3A_120 = arith.constant 6 : i32
      %dma_start3A_121 = arith.constant 6 : i32
      %dma_start3A_122 = arith.constant 0 : i32
      %dma_start3A_123 = arith.constant 0 : i32
      %dma_start3A_124 = tpu.memref_slice %arg13[%dma_start3A_121, %dma_start3A_122, %dma_start3A_123] : memref<10x128x64xf32, #tpu.memory_space<vmem>> -> memref<1x128x64xf32, #tpu.memory_space<vmem>>
      %dma_start3A_125 = tpu.memref_squeeze %dma_start3A_124 : memref<1x128x64xf32, #tpu.memory_space<vmem>> -> memref<128x64xf32, #tpu.memory_space<vmem>>
      %dma_start3A_126 = arith.constant 0 : i32
      %dma_start3A_127 = tpu.memref_slice %arg10[%dma_start3A_120, %dma_start3A_126] : memref<10x128xi32, #tpu.memory_space<vmem>> -> memref<1x128xi32, #tpu.memory_space<vmem>>
      %dma_start3A_128 = tpu.memref_squeeze %dma_start3A_127 : memref<1x128xi32, #tpu.memory_space<vmem>> -> memref<128xi32, #tpu.memory_space<vmem>>
      %dma_start3A_129 = arith.constant 0 : i32
      %dma_start3A_130 = arith.constant 0 : i32
      %dma_start3A_131 = tpu.memref_slice %arg6[%dma_start3A_129, %dma_start3A_130] : memref<1000000x64xf32, #tpu.memory_space<hbm>> -> memref<1000000x64xf32, #tpu.memory_space<hbm>>
      tpu.enqueue_indirect_dma source(%dma_start3A_131 : memref<1000000x64xf32, #tpu.memory_space<hbm>>) target(%dma_start3A_125 : memref<128x64xf32, #tpu.memory_space<vmem>>) offsets(%dma_start3A_128 : memref<128xi32, #tpu.memory_space<vmem>>) semaphore(%arg15 : memref<!tpu.dma_semaphore, #tpu.memory_space<semaphore_mem>>)
      %dma_start3A_132 = arith.constant 7 : i32
      %dma_start3A_133 = arith.constant 7 : i32
      %dma_start3A_134 = arith.constant 0 : i32
      %dma_start3A_135 = arith.constant 0 : i32
      %dma_start3A_136 = tpu.memref_slice %arg13[%dma_start3A_133, %dma_start3A_134, %dma_start3A_135] : memref<10x128x64xf32, #tpu.memory_space<vmem>> -> memref<1x128x64xf32, #tpu.memory_space<vmem>>
      %dma_start3A_137 = tpu.memref_squeeze %dma_start3A_136 : memref<1x128x64xf32, #tpu.memory_space<vmem>> -> memref<128x64xf32, #tpu.memory_space<vmem>>
      %dma_start3A_138 = arith.constant 0 : i32
      %dma_start3A_139 = tpu.memref_slice %arg10[%dma_start3A_132, %dma_start3A_138] : memref<10x128xi32, #tpu.memory_space<vmem>> -> memref<1x128xi32, #tpu.memory_space<vmem>>
      %dma_start3A_140 = tpu.memref_squeeze %dma_start3A_139 : memref<1x128xi32, #tpu.memory_space<vmem>> -> memref<128xi32, #tpu.memory_space<vmem>>
      %dma_start3A_141 = arith.constant 0 : i32
      %dma_start3A_142 = arith.constant 0 : i32
      %dma_start3A_143 = tpu.memref_slice %arg6[%dma_start3A_141, %dma_start3A_142] : memref<1000000x64xf32, #tpu.memory_space<hbm>> -> memref<1000000x64xf32, #tpu.memory_space<hbm>>
      tpu.enqueue_indirect_dma source(%dma_start3A_143 : memref<1000000x64xf32, #tpu.memory_space<hbm>>) target(%dma_start3A_137 : memref<128x64xf32, #tpu.memory_space<vmem>>) offsets(%dma_start3A_140 : memref<128xi32, #tpu.memory_space<vmem>>) semaphore(%arg15 : memref<!tpu.dma_semaphore, #tpu.memory_space<semaphore_mem>>)
      %dma_start3A_144 = arith.constant 8 : i32
      %dma_start3A_145 = arith.constant 8 : i32
      %dma_start3A_146 = arith.constant 0 : i32
      %dma_start3A_147 = arith.constant 0 : i32
      %dma_start3A_148 = tpu.memref_slice %arg13[%dma_start3A_145, %dma_start3A_146, %dma_start3A_147] : memref<10x128x64xf32, #tpu.memory_space<vmem>> -> memref<1x128x64xf32, #tpu.memory_space<vmem>>
      %dma_start3A_149 = tpu.memref_squeeze %dma_start3A_148 : memref<1x128x64xf32, #tpu.memory_space<vmem>> -> memref<128x64xf32, #tpu.memory_space<vmem>>
      %dma_start3A_150 = arith.constant 0 : i32
      %dma_start3A_151 = tpu.memref_slice %arg10[%dma_start3A_144, %dma_start3A_150] : memref<10x128xi32, #tpu.memory_space<vmem>> -> memref<1x128xi32, #tpu.memory_space<vmem>>
      %dma_start3A_152 = tpu.memref_squeeze %dma_start3A_151 : memref<1x128xi32, #tpu.memory_space<vmem>> -> memref<128xi32, #tpu.memory_space<vmem>>
      %dma_start3A_153 = arith.constant 0 : i32
      %dma_start3A_154 = arith.constant 0 : i32
      %dma_start3A_155 = tpu.memref_slice %arg6[%dma_start3A_153, %dma_start3A_154] : memref<1000000x64xf32, #tpu.memory_space<hbm>> -> memref<1000000x64xf32, #tpu.memory_space<hbm>>
      tpu.enqueue_indirect_dma source(%dma_start3A_155 : memref<1000000x64xf32, #tpu.memory_space<hbm>>) target(%dma_start3A_149 : memref<128x64xf32, #tpu.memory_space<vmem>>) offsets(%dma_start3A_152 : memref<128xi32, #tpu.memory_space<vmem>>) semaphore(%arg15 : memref<!tpu.dma_semaphore, #tpu.memory_space<semaphore_mem>>)
      %dma_start3A_156 = arith.constant 9 : i32
      %dma_start3A_157 = arith.constant 9 : i32
      %dma_start3A_158 = arith.constant 0 : i32
      %dma_start3A_159 = arith.constant 0 : i32
      %dma_start3A_160 = tpu.memref_slice %arg13[%dma_start3A_157, %dma_start3A_158, %dma_start3A_159] : memref<10x128x64xf32, #tpu.memory_space<vmem>> -> memref<1x128x64xf32, #tpu.memory_space<vmem>>
      %dma_start3A_161 = tpu.memref_squeeze %dma_start3A_160 : memref<1x128x64xf32, #tpu.memory_space<vmem>> -> memref<128x64xf32, #tpu.memory_space<vmem>>
      %dma_start3A_162 = arith.constant 0 : i32
      %dma_start3A_163 = tpu.memref_slice %arg10[%dma_start3A_156, %dma_start3A_162] : memref<10x128xi32, #tpu.memory_space<vmem>> -> memref<1x128xi32, #tpu.memory_space<vmem>>
      %dma_start3A_164 = tpu.memref_squeeze %dma_start3A_163 : memref<1x128xi32, #tpu.memory_space<vmem>> -> memref<128xi32, #tpu.memory_space<vmem>>
      %dma_start3A_165 = arith.constant 0 : i32
      %dma_start3A_166 = arith.constant 0 : i32
      %dma_start3A_167 = tpu.memref_slice %arg6[%dma_start3A_165, %dma_start3A_166] : memref<1000000x64xf32, #tpu.memory_space<hbm>> -> memref<1000000x64xf32, #tpu.memory_space<hbm>>
      tpu.enqueue_indirect_dma source(%dma_start3A_167 : memref<1000000x64xf32, #tpu.memory_space<hbm>>) target(%dma_start3A_161 : memref<128x64xf32, #tpu.memory_space<vmem>>) offsets(%dma_start3A_164 : memref<128xi32, #tpu.memory_space<vmem>>) semaphore(%arg15 : memref<!tpu.dma_semaphore, #tpu.memory_space<semaphore_mem>>)
      %dma_wait3A = arith.constant 0 : i32
      %dma_wait3A_168 = arith.constant 0 : i32
      %dma_wait3A_169 = tpu.memref_slice %arg5[%dma_wait3A, %dma_wait3A_168] : memref<1000000x64xf32, #tpu.memory_space<hbm>> -> memref<1000000x64xf32, #tpu.memory_space<hbm>>
      tpu.wait_indirect_dma semaphore(%arg15 : memref<!tpu.dma_semaphore, #tpu.memory_space<semaphore_mem>>) src(%dma_wait3A_169 : memref<1000000x64xf32, #tpu.memory_space<hbm>>) dst(%arg11 : memref<128x64xf32, #tpu.memory_space<vmem>>)
      %dma_wait3A_170 = arith.constant 0 : i32
      %dma_wait3A_171 = arith.constant 0 : i32
      %dma_wait3A_172 = tpu.memref_slice %arg6[%dma_wait3A_170, %dma_wait3A_171] : memref<1000000x64xf32, #tpu.memory_space<hbm>> -> memref<1000000x64xf32, #tpu.memory_space<hbm>>
      tpu.wait_indirect_dma semaphore(%arg15 : memref<!tpu.dma_semaphore, #tpu.memory_space<semaphore_mem>>) src(%dma_wait3A_172 : memref<1000000x64xf32, #tpu.memory_space<hbm>>) dst(%arg12 : memref<128x64xf32, #tpu.memory_space<vmem>>)
      %dma_wait3A_173 = arith.constant 0 : i32
      %dma_wait3A_174 = arith.constant 0 : i32
      %dma_wait3A_175 = arith.constant 0 : i32
      %dma_wait3A_176 = arith.constant 0 : i32
      %dma_wait3A_177 = tpu.memref_slice %arg13[%dma_wait3A_174, %dma_wait3A_175, %dma_wait3A_176] : memref<10x128x64xf32, #tpu.memory_space<vmem>> -> memref<1x128x64xf32, #tpu.memory_space<vmem>>
      %dma_wait3A_178 = tpu.memref_squeeze %dma_wait3A_177 : memref<1x128x64xf32, #tpu.memory_space<vmem>> -> memref<128x64xf32, #tpu.memory_space<vmem>>
      %dma_wait3A_179 = arith.constant 0 : i32
      %dma_wait3A_180 = tpu.memref_slice %arg10[%dma_wait3A_173, %dma_wait3A_179] : memref<10x128xi32, #tpu.memory_space<vmem>> -> memref<1x128xi32, #tpu.memory_space<vmem>>
      %dma_wait3A_181 = tpu.memref_squeeze %dma_wait3A_180 : memref<1x128xi32, #tpu.memory_space<vmem>> -> memref<128xi32, #tpu.memory_space<vmem>>
      %dma_wait3A_182 = arith.constant 0 : i32
      %dma_wait3A_183 = arith.constant 0 : i32
      %dma_wait3A_184 = tpu.memref_slice %arg6[%dma_wait3A_182, %dma_wait3A_183] : memref<1000000x64xf32, #tpu.memory_space<hbm>> -> memref<1000000x64xf32, #tpu.memory_space<hbm>>
      tpu.wait_indirect_dma semaphore(%arg15 : memref<!tpu.dma_semaphore, #tpu.memory_space<semaphore_mem>>) src(%dma_wait3A_184 : memref<1000000x64xf32, #tpu.memory_space<hbm>>) dst(%dma_wait3A_178 : memref<128x64xf32, #tpu.memory_space<vmem>>)
      %dma_wait3A_185 = arith.constant 1 : i32
      %dma_wait3A_186 = arith.constant 1 : i32
      %dma_wait3A_187 = arith.constant 0 : i32
      %dma_wait3A_188 = arith.constant 0 : i32
      %dma_wait3A_189 = tpu.memref_slice %arg13[%dma_wait3A_186, %dma_wait3A_187, %dma_wait3A_188] : memref<10x128x64xf32, #tpu.memory_space<vmem>> -> memref<1x128x64xf32, #tpu.memory_space<vmem>>
      %dma_wait3A_190 = tpu.memref_squeeze %dma_wait3A_189 : memref<1x128x64xf32, #tpu.memory_space<vmem>> -> memref<128x64xf32, #tpu.memory_space<vmem>>
      %dma_wait3A_191 = arith.constant 0 : i32
      %dma_wait3A_192 = tpu.memref_slice %arg10[%dma_wait3A_185, %dma_wait3A_191] : memref<10x128xi32, #tpu.memory_space<vmem>> -> memref<1x128xi32, #tpu.memory_space<vmem>>
      %dma_wait3A_193 = tpu.memref_squeeze %dma_wait3A_192 : memref<1x128xi32, #tpu.memory_space<vmem>> -> memref<128xi32, #tpu.memory_space<vmem>>
      %dma_wait3A_194 = arith.constant 0 : i32
      %dma_wait3A_195 = arith.constant 0 : i32
      %dma_wait3A_196 = tpu.memref_slice %arg6[%dma_wait3A_194, %dma_wait3A_195] : memref<1000000x64xf32, #tpu.memory_space<hbm>> -> memref<1000000x64xf32, #tpu.memory_space<hbm>>
      tpu.wait_indirect_dma semaphore(%arg15 : memref<!tpu.dma_semaphore, #tpu.memory_space<semaphore_mem>>) src(%dma_wait3A_196 : memref<1000000x64xf32, #tpu.memory_space<hbm>>) dst(%dma_wait3A_190 : memref<128x64xf32, #tpu.memory_space<vmem>>)
      %dma_wait3A_197 = arith.constant 2 : i32
      %dma_wait3A_198 = arith.constant 2 : i32
      %dma_wait3A_199 = arith.constant 0 : i32
      %dma_wait3A_200 = arith.constant 0 : i32
      %dma_wait3A_201 = tpu.memref_slice %arg13[%dma_wait3A_198, %dma_wait3A_199, %dma_wait3A_200] : memref<10x128x64xf32, #tpu.memory_space<vmem>> -> memref<1x128x64xf32, #tpu.memory_space<vmem>>
      %dma_wait3A_202 = tpu.memref_squeeze %dma_wait3A_201 : memref<1x128x64xf32, #tpu.memory_space<vmem>> -> memref<128x64xf32, #tpu.memory_space<vmem>>
      %dma_wait3A_203 = arith.constant 0 : i32
      %dma_wait3A_204 = tpu.memref_slice %arg10[%dma_wait3A_197, %dma_wait3A_203] : memref<10x128xi32, #tpu.memory_space<vmem>> -> memref<1x128xi32, #tpu.memory_space<vmem>>
      %dma_wait3A_205 = tpu.memref_squeeze %dma_wait3A_204 : memref<1x128xi32, #tpu.memory_space<vmem>> -> memref<128xi32, #tpu.memory_space<vmem>>
      %dma_wait3A_206 = arith.constant 0 : i32
      %dma_wait3A_207 = arith.constant 0 : i32
      %dma_wait3A_208 = tpu.memref_slice %arg6[%dma_wait3A_206, %dma_wait3A_207] : memref<1000000x64xf32, #tpu.memory_space<hbm>> -> memref<1000000x64xf32, #tpu.memory_space<hbm>>
      tpu.wait_indirect_dma semaphore(%arg15 : memref<!tpu.dma_semaphore, #tpu.memory_space<semaphore_mem>>) src(%dma_wait3A_208 : memref<1000000x64xf32, #tpu.memory_space<hbm>>) dst(%dma_wait3A_202 : memref<128x64xf32, #tpu.memory_space<vmem>>)
      %dma_wait3A_209 = arith.constant 3 : i32
      %dma_wait3A_210 = arith.constant 3 : i32
      %dma_wait3A_211 = arith.constant 0 : i32
      %dma_wait3A_212 = arith.constant 0 : i32
      %dma_wait3A_213 = tpu.memref_slice %arg13[%dma_wait3A_210, %dma_wait3A_211, %dma_wait3A_212] : memref<10x128x64xf32, #tpu.memory_space<vmem>> -> memref<1x128x64xf32, #tpu.memory_space<vmem>>
      %dma_wait3A_214 = tpu.memref_squeeze %dma_wait3A_213 : memref<1x128x64xf32, #tpu.memory_space<vmem>> -> memref<128x64xf32, #tpu.memory_space<vmem>>
      %dma_wait3A_215 = arith.constant 0 : i32
      %dma_wait3A_216 = tpu.memref_slice %arg10[%dma_wait3A_209, %dma_wait3A_215] : memref<10x128xi32, #tpu.memory_space<vmem>> -> memref<1x128xi32, #tpu.memory_space<vmem>>
      %dma_wait3A_217 = tpu.memref_squeeze %dma_wait3A_216 : memref<1x128xi32, #tpu.memory_space<vmem>> -> memref<128xi32, #tpu.memory_space<vmem>>
      %dma_wait3A_218 = arith.constant 0 : i32
      %dma_wait3A_219 = arith.constant 0 : i32
      %dma_wait3A_220 = tpu.memref_slice %arg6[%dma_wait3A_218, %dma_wait3A_219] : memref<1000000x64xf32, #tpu.memory_space<hbm>> -> memref<1000000x64xf32, #tpu.memory_space<hbm>>
      tpu.wait_indirect_dma semaphore(%arg15 : memref<!tpu.dma_semaphore, #tpu.memory_space<semaphore_mem>>) src(%dma_wait3A_220 : memref<1000000x64xf32, #tpu.memory_space<hbm>>) dst(%dma_wait3A_214 : memref<128x64xf32, #tpu.memory_space<vmem>>)
      %dma_wait3A_221 = arith.constant 4 : i32
      %dma_wait3A_222 = arith.constant 4 : i32
      %dma_wait3A_223 = arith.constant 0 : i32
      %dma_wait3A_224 = arith.constant 0 : i32
      %dma_wait3A_225 = tpu.memref_slice %arg13[%dma_wait3A_222, %dma_wait3A_223, %dma_wait3A_224] : memref<10x128x64xf32, #tpu.memory_space<vmem>> -> memref<1x128x64xf32, #tpu.memory_space<vmem>>
      %dma_wait3A_226 = tpu.memref_squeeze %dma_wait3A_225 : memref<1x128x64xf32, #tpu.memory_space<vmem>> -> memref<128x64xf32, #tpu.memory_space<vmem>>
      %dma_wait3A_227 = arith.constant 0 : i32
      %dma_wait3A_228 = tpu.memref_slice %arg10[%dma_wait3A_221, %dma_wait3A_227] : memref<10x128xi32, #tpu.memory_space<vmem>> -> memref<1x128xi32, #tpu.memory_space<vmem>>
      %dma_wait3A_229 = tpu.memref_squeeze %dma_wait3A_228 : memref<1x128xi32, #tpu.memory_space<vmem>> -> memref<128xi32, #tpu.memory_space<vmem>>
      %dma_wait3A_230 = arith.constant 0 : i32
      %dma_wait3A_231 = arith.constant 0 : i32
      %dma_wait3A_232 = tpu.memref_slice %arg6[%dma_wait3A_230, %dma_wait3A_231] : memref<1000000x64xf32, #tpu.memory_space<hbm>> -> memref<1000000x64xf32, #tpu.memory_space<hbm>>
      tpu.wait_indirect_dma semaphore(%arg15 : memref<!tpu.dma_semaphore, #tpu.memory_space<semaphore_mem>>) src(%dma_wait3A_232 : memref<1000000x64xf32, #tpu.memory_space<hbm>>) dst(%dma_wait3A_226 : memref<128x64xf32, #tpu.memory_space<vmem>>)
      %dma_wait3A_233 = arith.constant 5 : i32
      %dma_wait3A_234 = arith.constant 5 : i32
      %dma_wait3A_235 = arith.constant 0 : i32
      %dma_wait3A_236 = arith.constant 0 : i32
      %dma_wait3A_237 = tpu.memref_slice %arg13[%dma_wait3A_234, %dma_wait3A_235, %dma_wait3A_236] : memref<10x128x64xf32, #tpu.memory_space<vmem>> -> memref<1x128x64xf32, #tpu.memory_space<vmem>>
      %dma_wait3A_238 = tpu.memref_squeeze %dma_wait3A_237 : memref<1x128x64xf32, #tpu.memory_space<vmem>> -> memref<128x64xf32, #tpu.memory_space<vmem>>
      %dma_wait3A_239 = arith.constant 0 : i32
      %dma_wait3A_240 = tpu.memref_slice %arg10[%dma_wait3A_233, %dma_wait3A_239] : memref<10x128xi32, #tpu.memory_space<vmem>> -> memref<1x128xi32, #tpu.memory_space<vmem>>
      %dma_wait3A_241 = tpu.memref_squeeze %dma_wait3A_240 : memref<1x128xi32, #tpu.memory_space<vmem>> -> memref<128xi32, #tpu.memory_space<vmem>>
      %dma_wait3A_242 = arith.constant 0 : i32
      %dma_wait3A_243 = arith.constant 0 : i32
      %dma_wait3A_244 = tpu.memref_slice %arg6[%dma_wait3A_242, %dma_wait3A_243] : memref<1000000x64xf32, #tpu.memory_space<hbm>> -> memref<1000000x64xf32, #tpu.memory_space<hbm>>
      tpu.wait_indirect_dma semaphore(%arg15 : memref<!tpu.dma_semaphore, #tpu.memory_space<semaphore_mem>>) src(%dma_wait3A_244 : memref<1000000x64xf32, #tpu.memory_space<hbm>>) dst(%dma_wait3A_238 : memref<128x64xf32, #tpu.memory_space<vmem>>)
      %dma_wait3A_245 = arith.constant 6 : i32
      %dma_wait3A_246 = arith.constant 6 : i32
      %dma_wait3A_247 = arith.constant 0 : i32
      %dma_wait3A_248 = arith.constant 0 : i32
      %dma_wait3A_249 = tpu.memref_slice %arg13[%dma_wait3A_246, %dma_wait3A_247, %dma_wait3A_248] : memref<10x128x64xf32, #tpu.memory_space<vmem>> -> memref<1x128x64xf32, #tpu.memory_space<vmem>>
      %dma_wait3A_250 = tpu.memref_squeeze %dma_wait3A_249 : memref<1x128x64xf32, #tpu.memory_space<vmem>> -> memref<128x64xf32, #tpu.memory_space<vmem>>
      %dma_wait3A_251 = arith.constant 0 : i32
      %dma_wait3A_252 = tpu.memref_slice %arg10[%dma_wait3A_245, %dma_wait3A_251] : memref<10x128xi32, #tpu.memory_space<vmem>> -> memref<1x128xi32, #tpu.memory_space<vmem>>
      %dma_wait3A_253 = tpu.memref_squeeze %dma_wait3A_252 : memref<1x128xi32, #tpu.memory_space<vmem>> -> memref<128xi32, #tpu.memory_space<vmem>>
      %dma_wait3A_254 = arith.constant 0 : i32
      %dma_wait3A_255 = arith.constant 0 : i32
      %dma_wait3A_256 = tpu.memref_slice %arg6[%dma_wait3A_254, %dma_wait3A_255] : memref<1000000x64xf32, #tpu.memory_space<hbm>> -> memref<1000000x64xf32, #tpu.memory_space<hbm>>
      tpu.wait_indirect_dma semaphore(%arg15 : memref<!tpu.dma_semaphore, #tpu.memory_space<semaphore_mem>>) src(%dma_wait3A_256 : memref<1000000x64xf32, #tpu.memory_space<hbm>>) dst(%dma_wait3A_250 : memref<128x64xf32, #tpu.memory_space<vmem>>)
      %dma_wait3A_257 = arith.constant 7 : i32
      %dma_wait3A_258 = arith.constant 7 : i32
      %dma_wait3A_259 = arith.constant 0 : i32
      %dma_wait3A_260 = arith.constant 0 : i32
      %dma_wait3A_261 = tpu.memref_slice %arg13[%dma_wait3A_258, %dma_wait3A_259, %dma_wait3A_260] : memref<10x128x64xf32, #tpu.memory_space<vmem>> -> memref<1x128x64xf32, #tpu.memory_space<vmem>>
      %dma_wait3A_262 = tpu.memref_squeeze %dma_wait3A_261 : memref<1x128x64xf32, #tpu.memory_space<vmem>> -> memref<128x64xf32, #tpu.memory_space<vmem>>
      %dma_wait3A_263 = arith.constant 0 : i32
      %dma_wait3A_264 = tpu.memref_slice %arg10[%dma_wait3A_257, %dma_wait3A_263] : memref<10x128xi32, #tpu.memory_space<vmem>> -> memref<1x128xi32, #tpu.memory_space<vmem>>
      %dma_wait3A_265 = tpu.memref_squeeze %dma_wait3A_264 : memref<1x128xi32, #tpu.memory_space<vmem>> -> memref<128xi32, #tpu.memory_space<vmem>>
      %dma_wait3A_266 = arith.constant 0 : i32
      %dma_wait3A_267 = arith.constant 0 : i32
      %dma_wait3A_268 = tpu.memref_slice %arg6[%dma_wait3A_266, %dma_wait3A_267] : memref<1000000x64xf32, #tpu.memory_space<hbm>> -> memref<1000000x64xf32, #tpu.memory_space<hbm>>
      tpu.wait_indirect_dma semaphore(%arg15 : memref<!tpu.dma_semaphore, #tpu.memory_space<semaphore_mem>>) src(%dma_wait3A_268 : memref<1000000x64xf32, #tpu.memory_space<hbm>>) dst(%dma_wait3A_262 : memref<128x64xf32, #tpu.memory_space<vmem>>)
      %dma_wait3A_269 = arith.constant 8 : i32
      %dma_wait3A_270 = arith.constant 8 : i32
      %dma_wait3A_271 = arith.constant 0 : i32
      %dma_wait3A_272 = arith.constant 0 : i32
      %dma_wait3A_273 = tpu.memref_slice %arg13[%dma_wait3A_270, %dma_wait3A_271, %dma_wait3A_272] : memref<10x128x64xf32, #tpu.memory_space<vmem>> -> memref<1x128x64xf32, #tpu.memory_space<vmem>>
      %dma_wait3A_274 = tpu.memref_squeeze %dma_wait3A_273 : memref<1x128x64xf32, #tpu.memory_space<vmem>> -> memref<128x64xf32, #tpu.memory_space<vmem>>
      %dma_wait3A_275 = arith.constant 0 : i32
      %dma_wait3A_276 = tpu.memref_slice %arg10[%dma_wait3A_269, %dma_wait3A_275] : memref<10x128xi32, #tpu.memory_space<vmem>> -> memref<1x128xi32, #tpu.memory_space<vmem>>
      %dma_wait3A_277 = tpu.memref_squeeze %dma_wait3A_276 : memref<1x128xi32, #tpu.memory_space<vmem>> -> memref<128xi32, #tpu.memory_space<vmem>>
      %dma_wait3A_278 = arith.constant 0 : i32
      %dma_wait3A_279 = arith.constant 0 : i32
      %dma_wait3A_280 = tpu.memref_slice %arg6[%dma_wait3A_278, %dma_wait3A_279] : memref<1000000x64xf32, #tpu.memory_space<hbm>> -> memref<1000000x64xf32, #tpu.memory_space<hbm>>
      tpu.wait_indirect_dma semaphore(%arg15 : memref<!tpu.dma_semaphore, #tpu.memory_space<semaphore_mem>>) src(%dma_wait3A_280 : memref<1000000x64xf32, #tpu.memory_space<hbm>>) dst(%dma_wait3A_274 : memref<128x64xf32, #tpu.memory_space<vmem>>)
      %dma_wait3A_281 = arith.constant 9 : i32
      %dma_wait3A_282 = arith.constant 9 : i32
      %dma_wait3A_283 = arith.constant 0 : i32
      %dma_wait3A_284 = arith.constant 0 : i32
      %dma_wait3A_285 = tpu.memref_slice %arg13[%dma_wait3A_282, %dma_wait3A_283, %dma_wait3A_284] : memref<10x128x64xf32, #tpu.memory_space<vmem>> -> memref<1x128x64xf32, #tpu.memory_space<vmem>>
      %dma_wait3A_286 = tpu.memref_squeeze %dma_wait3A_285 : memref<1x128x64xf32, #tpu.memory_space<vmem>> -> memref<128x64xf32, #tpu.memory_space<vmem>>
      %dma_wait3A_287 = arith.constant 0 : i32
      %dma_wait3A_288 = tpu.memref_slice %arg10[%dma_wait3A_281, %dma_wait3A_287] : memref<10x128xi32, #tpu.memory_space<vmem>> -> memref<1x128xi32, #tpu.memory_space<vmem>>
      %dma_wait3A_289 = tpu.memref_squeeze %dma_wait3A_288 : memref<1x128xi32, #tpu.memory_space<vmem>> -> memref<128xi32, #tpu.memory_space<vmem>>
      %dma_wait3A_290 = arith.constant 0 : i32
      %dma_wait3A_291 = arith.constant 0 : i32
      %dma_wait3A_292 = tpu.memref_slice %arg6[%dma_wait3A_290, %dma_wait3A_291] : memref<1000000x64xf32, #tpu.memory_space<hbm>> -> memref<1000000x64xf32, #tpu.memory_space<hbm>>
      tpu.wait_indirect_dma semaphore(%arg15 : memref<!tpu.dma_semaphore, #tpu.memory_space<semaphore_mem>>) src(%dma_wait3A_292 : memref<1000000x64xf32, #tpu.memory_space<hbm>>) dst(%dma_wait3A_286 : memref<128x64xf32, #tpu.memory_space<vmem>>)
      %scan3A_293 = arith.constant 0 : i32
      %scan3A_294 = arith.constant 0 : i32
      %scan3A_295 = arith.constant 128 : i32
      %scan3A_296 = arith.addi %scan3A_294, %scan3A_295 : i32
      %scan3A_297 = arith.constant 1 : i32
      %scan3A_298 = scf.for %scan3A_301 = %scan3A_294 to %scan3A_296 step %scan3A_297 iter_args(%scan3A_302 = %scan3A_293) -> (i32)  : i32 {
        %get3A = arith.index_cast %scan3A_301 : i32 to index
        %get3A_303 = arith.constant 0 : index
        %get3A_304 = tpu.vector_load %arg11[%get3A, %get3A_303] {strides = array<i32>} : memref<128x64xf32, #tpu.memory_space<vmem>>, vector<16xf32>,
        %get3A_305 = arith.index_cast %scan3A_301 : i32 to index
        %get3A_306 = arith.constant 16 : index
        %get3A_307 = tpu.vector_load %arg11[%get3A_305, %get3A_306] {strides = array<i32>} : memref<128x64xf32, #tpu.memory_space<vmem>>, vector<16xf32>,
        %get3A_308 = arith.index_cast %scan3A_301 : i32 to index
        %get3A_309 = arith.constant 32 : index
        %get3A_310 = tpu.vector_load %arg11[%get3A_308, %get3A_309] {strides = array<i32>} : memref<128x64xf32, #tpu.memory_space<vmem>>, vector<16xf32>,
        %get3A_311 = arith.index_cast %scan3A_301 : i32 to index
        %get3A_312 = arith.constant 48 : index
        %get3A_313 = tpu.vector_load %arg11[%get3A_311, %get3A_312] {strides = array<i32>} : memref<128x64xf32, #tpu.memory_space<vmem>>, vector<16xf32>,
        %get3A_314 = arith.index_cast %scan3A_301 : i32 to index
        %get3A_315 = arith.constant 0 : index
        %get3A_316 = tpu.vector_load %arg12[%get3A_314, %get3A_315] {strides = array<i32>} : memref<128x64xf32, #tpu.memory_space<vmem>>, vector<16xf32>,
        %get3A_317 = arith.index_cast %scan3A_301 : i32 to index
        %get3A_318 = arith.constant 16 : index
        %get3A_319 = tpu.vector_load %arg12[%get3A_317, %get3A_318] {strides = array<i32>} : memref<128x64xf32, #tpu.memory_space<vmem>>, vector<16xf32>,
        %get3A_320 = arith.index_cast %scan3A_301 : i32 to index
        %get3A_321 = arith.constant 32 : index
        %get3A_322 = tpu.vector_load %arg12[%get3A_320, %get3A_321] {strides = array<i32>} : memref<128x64xf32, #tpu.memory_space<vmem>>, vector<16xf32>,
        %get3A_323 = arith.index_cast %scan3A_301 : i32 to index
        %get3A_324 = arith.constant 48 : index
        %get3A_325 = tpu.vector_load %arg12[%get3A_323, %get3A_324] {strides = array<i32>} : memref<128x64xf32, #tpu.memory_space<vmem>>, vector<16xf32>,
        %mul3A_326 = arith.mulf %get3A_304, %get3A_316 : vector<16xf32>
        %mul3A_327 = arith.mulf %get3A_307, %get3A_319 : vector<16xf32>
        %add3A_328 = arith.addf %mul3A_326, %mul3A_327 : vector<16xf32>
        %mul3A_329 = arith.mulf %get3A_310, %get3A_322 : vector<16xf32>
        %add3A_330 = arith.addf %add3A_328, %mul3A_329 : vector<16xf32>
        %mul3A_331 = arith.mulf %get3A_313, %get3A_325 : vector<16xf32>
        %add3A_332 = arith.addf %add3A_330, %mul3A_331 : vector<16xf32>
        %eq3A = arith.constant 0 : i32
        %eq3A_333 = vector.broadcast %eq3A : i32 to vector<16xi32>
        %eq3A_334 = arith.cmpi eq, %iota3A, %eq3A_333 : vector<16xi32>
        %reduce_sum3A = arith.constant true
        %reduce_sum3A_335 = vector.broadcast %reduce_sum3A : i1 to vector<16xi1>
        %reduce_sum3A_336 = tpu.scan <sum>, %add3A_332 masked %reduce_sum3A_335 : vector<16xf32>, vector<16xi1> -> vector<16xf32>
        %reduce_sum3A_337 = vector.extract %reduce_sum3A_336[15] : f32 from vector<16xf32>
        %jit3A = arith.constant 0.000000e+00 : f32
        %broadcast_in_dim3A = vector.broadcast %reduce_sum3A_337 : f32 to vector<16xf32>
        %broadcast_in_dim3A_338 = vector.broadcast %jit3A : f32 to vector<16xf32>
        %select_n3A = arith.select %eq3A_334, %broadcast_in_dim3A, %broadcast_in_dim3A_338 : vector<16xi1>, vector<16xf32>
        %get3A_339 = arith.constant 0 : i32
        %get3A_340 = arith.index_cast %get3A_339 : i32 to index
        %get3A_341 = arith.index_cast %scan3A_301 : i32 to index
        %get3A_342 = arith.constant 0 : index
        %get3A_343 = tpu.vector_load %arg13[%get3A_340, %get3A_341, %get3A_342] {strides = array<i32>} : memref<10x128x64xf32, #tpu.memory_space<vmem>>, vector<16xf32>,
        %get3A_344 = arith.constant 0 : i32
        %get3A_345 = arith.index_cast %get3A_344 : i32 to index
        %get3A_346 = arith.index_cast %scan3A_301 : i32 to index
        %get3A_347 = arith.constant 16 : index
        %get3A_348 = tpu.vector_load %arg13[%get3A_345, %get3A_346, %get3A_347] {strides = array<i32>} : memref<10x128x64xf32, #tpu.memory_space<vmem>>, vector<16xf32>,
        %get3A_349 = arith.constant 0 : i32
        %get3A_350 = arith.index_cast %get3A_349 : i32 to index
        %get3A_351 = arith.index_cast %scan3A_301 : i32 to index
        %get3A_352 = arith.constant 32 : index
        %get3A_353 = tpu.vector_load %arg13[%get3A_350, %get3A_351, %get3A_352] {strides = array<i32>} : memref<10x128x64xf32, #tpu.memory_space<vmem>>, vector<16xf32>,
        %get3A_354 = arith.constant 0 : i32
        %get3A_355 = arith.index_cast %get3A_354 : i32 to index
        %get3A_356 = arith.index_cast %scan3A_301 : i32 to index
        %get3A_357 = arith.constant 48 : index
        %get3A_358 = tpu.vector_load %arg13[%get3A_355, %get3A_356, %get3A_357] {strides = array<i32>} : memref<10x128x64xf32, #tpu.memory_space<vmem>>, vector<16xf32>,
        %mul3A_359 = arith.mulf %get3A_304, %get3A_343 : vector<16xf32>
        %mul3A_360 = arith.mulf %get3A_307, %get3A_348 : vector<16xf32>
        %add3A_361 = arith.addf %mul3A_359, %mul3A_360 : vector<16xf32>
        %mul3A_362 = arith.mulf %get3A_310, %get3A_353 : vector<16xf32>
        %add3A_363 = arith.addf %add3A_361, %mul3A_362 : vector<16xf32>
        %mul3A_364 = arith.mulf %get3A_313, %get3A_358 : vector<16xf32>
        %add3A_365 = arith.addf %add3A_363, %mul3A_364 : vector<16xf32>
        %eq3A_366 = arith.constant 1 : i32
        %eq3A_367 = vector.broadcast %eq3A_366 : i32 to vector<16xi32>
        %eq3A_368 = arith.cmpi eq, %iota3A, %eq3A_367 : vector<16xi32>
        %reduce_sum3A_369 = arith.constant true
        %reduce_sum3A_370 = vector.broadcast %reduce_sum3A_369 : i1 to vector<16xi1>
        %reduce_sum3A_371 = tpu.scan <sum>, %add3A_365 masked %reduce_sum3A_370 : vector<16xf32>, vector<16xi1> -> vector<16xf32>
        %reduce_sum3A_372 = vector.extract %reduce_sum3A_371[15] : f32 from vector<16xf32>
        %neg3A = arith.constant 0.000000e+00 : f32
        %neg3A_373 = arith.subf %neg3A, %reduce_sum3A_372 : f32
        %broadcast_in_dim3A_374 = vector.broadcast %neg3A_373 : f32 to vector<16xf32>
        %select_n3A_375 = arith.select %eq3A_368, %broadcast_in_dim3A_374, %select_n3A : vector<16xi1>, vector<16xf32>
        %get3A_376 = arith.constant 1 : i32
        %get3A_377 = arith.index_cast %get3A_376 : i32 to index
        %get3A_378 = arith.index_cast %scan3A_301 : i32 to index
        %get3A_379 = arith.constant 0 : index
        %get3A_380 = tpu.vector_load %arg13[%get3A_377, %get3A_378, %get3A_379] {strides = array<i32>} : memref<10x128x64xf32, #tpu.memory_space<vmem>>, vector<16xf32>,
        %get3A_381 = arith.constant 1 : i32
        %get3A_382 = arith.index_cast %get3A_381 : i32 to index
        %get3A_383 = arith.index_cast %scan3A_301 : i32 to index
        %get3A_384 = arith.constant 16 : index
        %get3A_385 = tpu.vector_load %arg13[%get3A_382, %get3A_383, %get3A_384] {strides = array<i32>} : memref<10x128x64xf32, #tpu.memory_space<vmem>>, vector<16xf32>,
        %get3A_386 = arith.constant 1 : i32
        %get3A_387 = arith.index_cast %get3A_386 : i32 to index
        %get3A_388 = arith.index_cast %scan3A_301 : i32 to index
        %get3A_389 = arith.constant 32 : index
        %get3A_390 = tpu.vector_load %arg13[%get3A_387, %get3A_388, %get3A_389] {strides = array<i32>} : memref<10x128x64xf32, #tpu.memory_space<vmem>>, vector<16xf32>,
        %get3A_391 = arith.constant 1 : i32
        %get3A_392 = arith.index_cast %get3A_391 : i32 to index
        %get3A_393 = arith.index_cast %scan3A_301 : i32 to index
        %get3A_394 = arith.constant 48 : index
        %get3A_395 = tpu.vector_load %arg13[%get3A_392, %get3A_393, %get3A_394] {strides = array<i32>} : memref<10x128x64xf32, #tpu.memory_space<vmem>>, vector<16xf32>,
        %mul3A_396 = arith.mulf %get3A_304, %get3A_380 : vector<16xf32>
        %mul3A_397 = arith.mulf %get3A_307, %get3A_385 : vector<16xf32>
        %add3A_398 = arith.addf %mul3A_396, %mul3A_397 : vector<16xf32>
        %mul3A_399 = arith.mulf %get3A_310, %get3A_390 : vector<16xf32>
        %add3A_400 = arith.addf %add3A_398, %mul3A_399 : vector<16xf32>
        %mul3A_401 = arith.mulf %get3A_313, %get3A_395 : vector<16xf32>
        %add3A_402 = arith.addf %add3A_400, %mul3A_401 : vector<16xf32>
        %eq3A_403 = arith.constant 2 : i32
        %eq3A_404 = vector.broadcast %eq3A_403 : i32 to vector<16xi32>
        %eq3A_405 = arith.cmpi eq, %iota3A, %eq3A_404 : vector<16xi32>
        %reduce_sum3A_406 = arith.constant true
        %reduce_sum3A_407 = vector.broadcast %reduce_sum3A_406 : i1 to vector<16xi1>
        %reduce_sum3A_408 = tpu.scan <sum>, %add3A_402 masked %reduce_sum3A_407 : vector<16xf32>, vector<16xi1> -> vector<16xf32>
        %reduce_sum3A_409 = vector.extract %reduce_sum3A_408[15] : f32 from vector<16xf32>
        %neg3A_410 = arith.constant 0.000000e+00 : f32
        %neg3A_411 = arith.subf %neg3A_410, %reduce_sum3A_409 : f32
        %broadcast_in_dim3A_412 = vector.broadcast %neg3A_411 : f32 to vector<16xf32>
        %select_n3A_413 = arith.select %eq3A_405, %broadcast_in_dim3A_412, %select_n3A_375 : vector<16xi1>, vector<16xf32>
        %get3A_414 = arith.constant 2 : i32
        %get3A_415 = arith.index_cast %get3A_414 : i32 to index
        %get3A_416 = arith.index_cast %scan3A_301 : i32 to index
        %get3A_417 = arith.constant 0 : index
        %get3A_418 = tpu.vector_load %arg13[%get3A_415, %get3A_416, %get3A_417] {strides = array<i32>} : memref<10x128x64xf32, #tpu.memory_space<vmem>>, vector<16xf32>,
        %get3A_419 = arith.constant 2 : i32
        %get3A_420 = arith.index_cast %get3A_419 : i32 to index
        %get3A_421 = arith.index_cast %scan3A_301 : i32 to index
        %get3A_422 = arith.constant 16 : index
        %get3A_423 = tpu.vector_load %arg13[%get3A_420, %get3A_421, %get3A_422] {strides = array<i32>} : memref<10x128x64xf32, #tpu.memory_space<vmem>>, vector<16xf32>,
        %get3A_424 = arith.constant 2 : i32
        %get3A_425 = arith.index_cast %get3A_424 : i32 to index
        %get3A_426 = arith.index_cast %scan3A_301 : i32 to index
        %get3A_427 = arith.constant 32 : index
        %get3A_428 = tpu.vector_load %arg13[%get3A_425, %get3A_426, %get3A_427] {strides = array<i32>} : memref<10x128x64xf32, #tpu.memory_space<vmem>>, vector<16xf32>,
        %get3A_429 = arith.constant 2 : i32
        %get3A_430 = arith.index_cast %get3A_429 : i32 to index
        %get3A_431 = arith.index_cast %scan3A_301 : i32 to index
        %get3A_432 = arith.constant 48 : index
        %get3A_433 = tpu.vector_load %arg13[%get3A_430, %get3A_431, %get3A_432] {strides = array<i32>} : memref<10x128x64xf32, #tpu.memory_space<vmem>>, vector<16xf32>,
        %mul3A_434 = arith.mulf %get3A_304, %get3A_418 : vector<16xf32>
        %mul3A_435 = arith.mulf %get3A_307, %get3A_423 : vector<16xf32>
        %add3A_436 = arith.addf %mul3A_434, %mul3A_435 : vector<16xf32>
        %mul3A_437 = arith.mulf %get3A_310, %get3A_428 : vector<16xf32>
        %add3A_438 = arith.addf %add3A_436, %mul3A_437 : vector<16xf32>
        %mul3A_439 = arith.mulf %get3A_313, %get3A_433 : vector<16xf32>
        %add3A_440 = arith.addf %add3A_438, %mul3A_439 : vector<16xf32>
        %eq3A_441 = arith.constant 3 : i32
        %eq3A_442 = vector.broadcast %eq3A_441 : i32 to vector<16xi32>
        %eq3A_443 = arith.cmpi eq, %iota3A, %eq3A_442 : vector<16xi32>
        %reduce_sum3A_444 = arith.constant true
        %reduce_sum3A_445 = vector.broadcast %reduce_sum3A_444 : i1 to vector<16xi1>
        %reduce_sum3A_446 = tpu.scan <sum>, %add3A_440 masked %reduce_sum3A_445 : vector<16xf32>, vector<16xi1> -> vector<16xf32>
        %reduce_sum3A_447 = vector.extract %reduce_sum3A_446[15] : f32 from vector<16xf32>
        %neg3A_448 = arith.constant 0.000000e+00 : f32
        %neg3A_449 = arith.subf %neg3A_448, %reduce_sum3A_447 : f32
        %broadcast_in_dim3A_450 = vector.broadcast %neg3A_449 : f32 to vector<16xf32>
        %select_n3A_451 = arith.select %eq3A_443, %broadcast_in_dim3A_450, %select_n3A_413 : vector<16xi1>, vector<16xf32>
        %get3A_452 = arith.constant 3 : i32
        %get3A_453 = arith.index_cast %get3A_452 : i32 to index
        %get3A_454 = arith.index_cast %scan3A_301 : i32 to index
        %get3A_455 = arith.constant 0 : index
        %get3A_456 = tpu.vector_load %arg13[%get3A_453, %get3A_454, %get3A_455] {strides = array<i32>} : memref<10x128x64xf32, #tpu.memory_space<vmem>>, vector<16xf32>,
        %get3A_457 = arith.constant 3 : i32
        %get3A_458 = arith.index_cast %get3A_457 : i32 to index
        %get3A_459 = arith.index_cast %scan3A_301 : i32 to index
        %get3A_460 = arith.constant 16 : index
        %get3A_461 = tpu.vector_load %arg13[%get3A_458, %get3A_459, %get3A_460] {strides = array<i32>} : memref<10x128x64xf32, #tpu.memory_space<vmem>>, vector<16xf32>,
        %get3A_462 = arith.constant 3 : i32
        %get3A_463 = arith.index_cast %get3A_462 : i32 to index
        %get3A_464 = arith.index_cast %scan3A_301 : i32 to index
        %get3A_465 = arith.constant 32 : index
        %get3A_466 = tpu.vector_load %arg13[%get3A_463, %get3A_464, %get3A_465] {strides = array<i32>} : memref<10x128x64xf32, #tpu.memory_space<vmem>>, vector<16xf32>,
        %get3A_467 = arith.constant 3 : i32
        %get3A_468 = arith.index_cast %get3A_467 : i32 to index
        %get3A_469 = arith.index_cast %scan3A_301 : i32 to index
        %get3A_470 = arith.constant 48 : index
        %get3A_471 = tpu.vector_load %arg13[%get3A_468, %get3A_469, %get3A_470] {strides = array<i32>} : memref<10x128x64xf32, #tpu.memory_space<vmem>>, vector<16xf32>,
        %mul3A_472 = arith.mulf %get3A_304, %get3A_456 : vector<16xf32>
        %mul3A_473 = arith.mulf %get3A_307, %get3A_461 : vector<16xf32>
        %add3A_474 = arith.addf %mul3A_472, %mul3A_473 : vector<16xf32>
        %mul3A_475 = arith.mulf %get3A_310, %get3A_466 : vector<16xf32>
        %add3A_476 = arith.addf %add3A_474, %mul3A_475 : vector<16xf32>
        %mul3A_477 = arith.mulf %get3A_313, %get3A_471 : vector<16xf32>
        %add3A_478 = arith.addf %add3A_476, %mul3A_477 : vector<16xf32>
        %eq3A_479 = arith.constant 4 : i32
        %eq3A_480 = vector.broadcast %eq3A_479 : i32 to vector<16xi32>
        %eq3A_481 = arith.cmpi eq, %iota3A, %eq3A_480 : vector<16xi32>
        %reduce_sum3A_482 = arith.constant true
        %reduce_sum3A_483 = vector.broadcast %reduce_sum3A_482 : i1 to vector<16xi1>
        %reduce_sum3A_484 = tpu.scan <sum>, %add3A_478 masked %reduce_sum3A_483 : vector<16xf32>, vector<16xi1> -> vector<16xf32>
        %reduce_sum3A_485 = vector.extract %reduce_sum3A_484[15] : f32 from vector<16xf32>
        %neg3A_486 = arith.constant 0.000000e+00 : f32
        %neg3A_487 = arith.subf %neg3A_486, %reduce_sum3A_485 : f32
        %broadcast_in_dim3A_488 = vector.broadcast %neg3A_487 : f32 to vector<16xf32>
        %select_n3A_489 = arith.select %eq3A_481, %broadcast_in_dim3A_488, %select_n3A_451 : vector<16xi1>, vector<16xf32>
        %get3A_490 = arith.constant 4 : i32
        %get3A_491 = arith.index_cast %get3A_490 : i32 to index
        %get3A_492 = arith.index_cast %scan3A_301 : i32 to index
        %get3A_493 = arith.constant 0 : index
        %get3A_494 = tpu.vector_load %arg13[%get3A_491, %get3A_492, %get3A_493] {strides = array<i32>} : memref<10x128x64xf32, #tpu.memory_space<vmem>>, vector<16xf32>,
        %get3A_495 = arith.constant 4 : i32
        %get3A_496 = arith.index_cast %get3A_495 : i32 to index
        %get3A_497 = arith.index_cast %scan3A_301 : i32 to index
        %get3A_498 = arith.constant 16 : index
        %get3A_499 = tpu.vector_load %arg13[%get3A_496, %get3A_497, %get3A_498] {strides = array<i32>} : memref<10x128x64xf32, #tpu.memory_space<vmem>>, vector<16xf32>,
        %get3A_500 = arith.constant 4 : i32
        %get3A_501 = arith.index_cast %get3A_500 : i32 to index
        %get3A_502 = arith.index_cast %scan3A_301 : i32 to index
        %get3A_503 = arith.constant 32 : index
        %get3A_504 = tpu.vector_load %arg13[%get3A_501, %get3A_502, %get3A_503] {strides = array<i32>} : memref<10x128x64xf32, #tpu.memory_space<vmem>>, vector<16xf32>,
        %get3A_505 = arith.constant 4 : i32
        %get3A_506 = arith.index_cast %get3A_505 : i32 to index
        %get3A_507 = arith.index_cast %scan3A_301 : i32 to index
        %get3A_508 = arith.constant 48 : index
        %get3A_509 = tpu.vector_load %arg13[%get3A_506, %get3A_507, %get3A_508] {strides = array<i32>} : memref<10x128x64xf32, #tpu.memory_space<vmem>>, vector<16xf32>,
        %mul3A_510 = arith.mulf %get3A_304, %get3A_494 : vector<16xf32>
        %mul3A_511 = arith.mulf %get3A_307, %get3A_499 : vector<16xf32>
        %add3A_512 = arith.addf %mul3A_510, %mul3A_511 : vector<16xf32>
        %mul3A_513 = arith.mulf %get3A_310, %get3A_504 : vector<16xf32>
        %add3A_514 = arith.addf %add3A_512, %mul3A_513 : vector<16xf32>
        %mul3A_515 = arith.mulf %get3A_313, %get3A_509 : vector<16xf32>
        %add3A_516 = arith.addf %add3A_514, %mul3A_515 : vector<16xf32>
        %eq3A_517 = arith.constant 5 : i32
        %eq3A_518 = vector.broadcast %eq3A_517 : i32 to vector<16xi32>
        %eq3A_519 = arith.cmpi eq, %iota3A, %eq3A_518 : vector<16xi32>
        %reduce_sum3A_520 = arith.constant true
        %reduce_sum3A_521 = vector.broadcast %reduce_sum3A_520 : i1 to vector<16xi1>
        %reduce_sum3A_522 = tpu.scan <sum>, %add3A_516 masked %reduce_sum3A_521 : vector<16xf32>, vector<16xi1> -> vector<16xf32>
        %reduce_sum3A_523 = vector.extract %reduce_sum3A_522[15] : f32 from vector<16xf32>
        %neg3A_524 = arith.constant 0.000000e+00 : f32
        %neg3A_525 = arith.subf %neg3A_524, %reduce_sum3A_523 : f32
        %broadcast_in_dim3A_526 = vector.broadcast %neg3A_525 : f32 to vector<16xf32>
        %select_n3A_527 = arith.select %eq3A_519, %broadcast_in_dim3A_526, %select_n3A_489 : vector<16xi1>, vector<16xf32>
        %get3A_528 = arith.constant 5 : i32
        %get3A_529 = arith.index_cast %get3A_528 : i32 to index
        %get3A_530 = arith.index_cast %scan3A_301 : i32 to index
        %get3A_531 = arith.constant 0 : index
        %get3A_532 = tpu.vector_load %arg13[%get3A_529, %get3A_530, %get3A_531] {strides = array<i32>} : memref<10x128x64xf32, #tpu.memory_space<vmem>>, vector<16xf32>,
        %get3A_533 = arith.constant 5 : i32
        %get3A_534 = arith.index_cast %get3A_533 : i32 to index
        %get3A_535 = arith.index_cast %scan3A_301 : i32 to index
        %get3A_536 = arith.constant 16 : index
        %get3A_537 = tpu.vector_load %arg13[%get3A_534, %get3A_535, %get3A_536] {strides = array<i32>} : memref<10x128x64xf32, #tpu.memory_space<vmem>>, vector<16xf32>,
        %get3A_538 = arith.constant 5 : i32
        %get3A_539 = arith.index_cast %get3A_538 : i32 to index
        %get3A_540 = arith.index_cast %scan3A_301 : i32 to index
        %get3A_541 = arith.constant 32 : index
        %get3A_542 = tpu.vector_load %arg13[%get3A_539, %get3A_540, %get3A_541] {strides = array<i32>} : memref<10x128x64xf32, #tpu.memory_space<vmem>>, vector<16xf32>,
        %get3A_543 = arith.constant 5 : i32
        %get3A_544 = arith.index_cast %get3A_543 : i32 to index
        %get3A_545 = arith.index_cast %scan3A_301 : i32 to index
        %get3A_546 = arith.constant 48 : index
        %get3A_547 = tpu.vector_load %arg13[%get3A_544, %get3A_545, %get3A_546] {strides = array<i32>} : memref<10x128x64xf32, #tpu.memory_space<vmem>>, vector<16xf32>,
        %mul3A_548 = arith.mulf %get3A_304, %get3A_532 : vector<16xf32>
        %mul3A_549 = arith.mulf %get3A_307, %get3A_537 : vector<16xf32>
        %add3A_550 = arith.addf %mul3A_548, %mul3A_549 : vector<16xf32>
        %mul3A_551 = arith.mulf %get3A_310, %get3A_542 : vector<16xf32>
        %add3A_552 = arith.addf %add3A_550, %mul3A_551 : vector<16xf32>
        %mul3A_553 = arith.mulf %get3A_313, %get3A_547 : vector<16xf32>
        %add3A_554 = arith.addf %add3A_552, %mul3A_553 : vector<16xf32>
        %eq3A_555 = arith.constant 6 : i32
        %eq3A_556 = vector.broadcast %eq3A_555 : i32 to vector<16xi32>
        %eq3A_557 = arith.cmpi eq, %iota3A, %eq3A_556 : vector<16xi32>
        %reduce_sum3A_558 = arith.constant true
        %reduce_sum3A_559 = vector.broadcast %reduce_sum3A_558 : i1 to vector<16xi1>
        %reduce_sum3A_560 = tpu.scan <sum>, %add3A_554 masked %reduce_sum3A_559 : vector<16xf32>, vector<16xi1> -> vector<16xf32>
        %reduce_sum3A_561 = vector.extract %reduce_sum3A_560[15] : f32 from vector<16xf32>
        %neg3A_562 = arith.constant 0.000000e+00 : f32
        %neg3A_563 = arith.subf %neg3A_562, %reduce_sum3A_561 : f32
        %broadcast_in_dim3A_564 = vector.broadcast %neg3A_563 : f32 to vector<16xf32>
        %select_n3A_565 = arith.select %eq3A_557, %broadcast_in_dim3A_564, %select_n3A_527 : vector<16xi1>, vector<16xf32>
        %get3A_566 = arith.constant 6 : i32
        %get3A_567 = arith.index_cast %get3A_566 : i32 to index
        %get3A_568 = arith.index_cast %scan3A_301 : i32 to index
        %get3A_569 = arith.constant 0 : index
        %get3A_570 = tpu.vector_load %arg13[%get3A_567, %get3A_568, %get3A_569] {strides = array<i32>} : memref<10x128x64xf32, #tpu.memory_space<vmem>>, vector<16xf32>,
        %get3A_571 = arith.constant 6 : i32
        %get3A_572 = arith.index_cast %get3A_571 : i32 to index
        %get3A_573 = arith.index_cast %scan3A_301 : i32 to index
        %get3A_574 = arith.constant 16 : index
        %get3A_575 = tpu.vector_load %arg13[%get3A_572, %get3A_573, %get3A_574] {strides = array<i32>} : memref<10x128x64xf32, #tpu.memory_space<vmem>>, vector<16xf32>,
        %get3A_576 = arith.constant 6 : i32
        %get3A_577 = arith.index_cast %get3A_576 : i32 to index
        %get3A_578 = arith.index_cast %scan3A_301 : i32 to index
        %get3A_579 = arith.constant 32 : index
        %get3A_580 = tpu.vector_load %arg13[%get3A_577, %get3A_578, %get3A_579] {strides = array<i32>} : memref<10x128x64xf32, #tpu.memory_space<vmem>>, vector<16xf32>,
        %get3A_581 = arith.constant 6 : i32
        %get3A_582 = arith.index_cast %get3A_581 : i32 to index
        %get3A_583 = arith.index_cast %scan3A_301 : i32 to index
        %get3A_584 = arith.constant 48 : index
        %get3A_585 = tpu.vector_load %arg13[%get3A_582, %get3A_583, %get3A_584] {strides = array<i32>} : memref<10x128x64xf32, #tpu.memory_space<vmem>>, vector<16xf32>,
        %mul3A_586 = arith.mulf %get3A_304, %get3A_570 : vector<16xf32>
        %mul3A_587 = arith.mulf %get3A_307, %get3A_575 : vector<16xf32>
        %add3A_588 = arith.addf %mul3A_586, %mul3A_587 : vector<16xf32>
        %mul3A_589 = arith.mulf %get3A_310, %get3A_580 : vector<16xf32>
        %add3A_590 = arith.addf %add3A_588, %mul3A_589 : vector<16xf32>
        %mul3A_591 = arith.mulf %get3A_313, %get3A_585 : vector<16xf32>
        %add3A_592 = arith.addf %add3A_590, %mul3A_591 : vector<16xf32>
        %eq3A_593 = arith.constant 7 : i32
        %eq3A_594 = vector.broadcast %eq3A_593 : i32 to vector<16xi32>
        %eq3A_595 = arith.cmpi eq, %iota3A, %eq3A_594 : vector<16xi32>
        %reduce_sum3A_596 = arith.constant true
        %reduce_sum3A_597 = vector.broadcast %reduce_sum3A_596 : i1 to vector<16xi1>
        %reduce_sum3A_598 = tpu.scan <sum>, %add3A_592 masked %reduce_sum3A_597 : vector<16xf32>, vector<16xi1> -> vector<16xf32>
        %reduce_sum3A_599 = vector.extract %reduce_sum3A_598[15] : f32 from vector<16xf32>
        %neg3A_600 = arith.constant 0.000000e+00 : f32
        %neg3A_601 = arith.subf %neg3A_600, %reduce_sum3A_599 : f32
        %broadcast_in_dim3A_602 = vector.broadcast %neg3A_601 : f32 to vector<16xf32>
        %select_n3A_603 = arith.select %eq3A_595, %broadcast_in_dim3A_602, %select_n3A_565 : vector<16xi1>, vector<16xf32>
        %get3A_604 = arith.constant 7 : i32
        %get3A_605 = arith.index_cast %get3A_604 : i32 to index
        %get3A_606 = arith.index_cast %scan3A_301 : i32 to index
        %get3A_607 = arith.constant 0 : index
        %get3A_608 = tpu.vector_load %arg13[%get3A_605, %get3A_606, %get3A_607] {strides = array<i32>} : memref<10x128x64xf32, #tpu.memory_space<vmem>>, vector<16xf32>,
        %get3A_609 = arith.constant 7 : i32
        %get3A_610 = arith.index_cast %get3A_609 : i32 to index
        %get3A_611 = arith.index_cast %scan3A_301 : i32 to index
        %get3A_612 = arith.constant 16 : index
        %get3A_613 = tpu.vector_load %arg13[%get3A_610, %get3A_611, %get3A_612] {strides = array<i32>} : memref<10x128x64xf32, #tpu.memory_space<vmem>>, vector<16xf32>,
        %get3A_614 = arith.constant 7 : i32
        %get3A_615 = arith.index_cast %get3A_614 : i32 to index
        %get3A_616 = arith.index_cast %scan3A_301 : i32 to index
        %get3A_617 = arith.constant 32 : index
        %get3A_618 = tpu.vector_load %arg13[%get3A_615, %get3A_616, %get3A_617] {strides = array<i32>} : memref<10x128x64xf32, #tpu.memory_space<vmem>>, vector<16xf32>,
        %get3A_619 = arith.constant 7 : i32
        %get3A_620 = arith.index_cast %get3A_619 : i32 to index
        %get3A_621 = arith.index_cast %scan3A_301 : i32 to index
        %get3A_622 = arith.constant 48 : index
        %get3A_623 = tpu.vector_load %arg13[%get3A_620, %get3A_621, %get3A_622] {strides = array<i32>} : memref<10x128x64xf32, #tpu.memory_space<vmem>>, vector<16xf32>,
        %mul3A_624 = arith.mulf %get3A_304, %get3A_608 : vector<16xf32>
        %mul3A_625 = arith.mulf %get3A_307, %get3A_613 : vector<16xf32>
        %add3A_626 = arith.addf %mul3A_624, %mul3A_625 : vector<16xf32>
        %mul3A_627 = arith.mulf %get3A_310, %get3A_618 : vector<16xf32>
        %add3A_628 = arith.addf %add3A_626, %mul3A_627 : vector<16xf32>
        %mul3A_629 = arith.mulf %get3A_313, %get3A_623 : vector<16xf32>
        %add3A_630 = arith.addf %add3A_628, %mul3A_629 : vector<16xf32>
        %eq3A_631 = arith.constant 8 : i32
        %eq3A_632 = vector.broadcast %eq3A_631 : i32 to vector<16xi32>
        %eq3A_633 = arith.cmpi eq, %iota3A, %eq3A_632 : vector<16xi32>
        %reduce_sum3A_634 = arith.constant true
        %reduce_sum3A_635 = vector.broadcast %reduce_sum3A_634 : i1 to vector<16xi1>
        %reduce_sum3A_636 = tpu.scan <sum>, %add3A_630 masked %reduce_sum3A_635 : vector<16xf32>, vector<16xi1> -> vector<16xf32>
        %reduce_sum3A_637 = vector.extract %reduce_sum3A_636[15] : f32 from vector<16xf32>
        %neg3A_638 = arith.constant 0.000000e+00 : f32
        %neg3A_639 = arith.subf %neg3A_638, %reduce_sum3A_637 : f32
        %broadcast_in_dim3A_640 = vector.broadcast %neg3A_639 : f32 to vector<16xf32>
        %select_n3A_641 = arith.select %eq3A_633, %broadcast_in_dim3A_640, %select_n3A_603 : vector<16xi1>, vector<16xf32>
        %get3A_642 = arith.constant 8 : i32
        %get3A_643 = arith.index_cast %get3A_642 : i32 to index
        %get3A_644 = arith.index_cast %scan3A_301 : i32 to index
        %get3A_645 = arith.constant 0 : index
        %get3A_646 = tpu.vector_load %arg13[%get3A_643, %get3A_644, %get3A_645] {strides = array<i32>} : memref<10x128x64xf32, #tpu.memory_space<vmem>>, vector<16xf32>,
        %get3A_647 = arith.constant 8 : i32
        %get3A_648 = arith.index_cast %get3A_647 : i32 to index
        %get3A_649 = arith.index_cast %scan3A_301 : i32 to index
        %get3A_650 = arith.constant 16 : index
        %get3A_651 = tpu.vector_load %arg13[%get3A_648, %get3A_649, %get3A_650] {strides = array<i32>} : memref<10x128x64xf32, #tpu.memory_space<vmem>>, vector<16xf32>,
        %get3A_652 = arith.constant 8 : i32
        %get3A_653 = arith.index_cast %get3A_652 : i32 to index
        %get3A_654 = arith.index_cast %scan3A_301 : i32 to index
        %get3A_655 = arith.constant 32 : index
        %get3A_656 = tpu.vector_load %arg13[%get3A_653, %get3A_654, %get3A_655] {strides = array<i32>} : memref<10x128x64xf32, #tpu.memory_space<vmem>>, vector<16xf32>,
        %get3A_657 = arith.constant 8 : i32
        %get3A_658 = arith.index_cast %get3A_657 : i32 to index
        %get3A_659 = arith.index_cast %scan3A_301 : i32 to index
        %get3A_660 = arith.constant 48 : index
        %get3A_661 = tpu.vector_load %arg13[%get3A_658, %get3A_659, %get3A_660] {strides = array<i32>} : memref<10x128x64xf32, #tpu.memory_space<vmem>>, vector<16xf32>,
        %mul3A_662 = arith.mulf %get3A_304, %get3A_646 : vector<16xf32>
        %mul3A_663 = arith.mulf %get3A_307, %get3A_651 : vector<16xf32>
        %add3A_664 = arith.addf %mul3A_662, %mul3A_663 : vector<16xf32>
        %mul3A_665 = arith.mulf %get3A_310, %get3A_656 : vector<16xf32>
        %add3A_666 = arith.addf %add3A_664, %mul3A_665 : vector<16xf32>
        %mul3A_667 = arith.mulf %get3A_313, %get3A_661 : vector<16xf32>
        %add3A_668 = arith.addf %add3A_666, %mul3A_667 : vector<16xf32>
        %eq3A_669 = arith.constant 9 : i32
        %eq3A_670 = vector.broadcast %eq3A_669 : i32 to vector<16xi32>
        %eq3A_671 = arith.cmpi eq, %iota3A, %eq3A_670 : vector<16xi32>
        %reduce_sum3A_672 = arith.constant true
        %reduce_sum3A_673 = vector.broadcast %reduce_sum3A_672 : i1 to vector<16xi1>
        %reduce_sum3A_674 = tpu.scan <sum>, %add3A_668 masked %reduce_sum3A_673 : vector<16xf32>, vector<16xi1> -> vector<16xf32>
        %reduce_sum3A_675 = vector.extract %reduce_sum3A_674[15] : f32 from vector<16xf32>
        %neg3A_676 = arith.constant 0.000000e+00 : f32
        %neg3A_677 = arith.subf %neg3A_676, %reduce_sum3A_675 : f32
        %broadcast_in_dim3A_678 = vector.broadcast %neg3A_677 : f32 to vector<16xf32>
        %select_n3A_679 = arith.select %eq3A_671, %broadcast_in_dim3A_678, %select_n3A_641 : vector<16xi1>, vector<16xf32>
        %get3A_680 = arith.constant 9 : i32
        %get3A_681 = arith.index_cast %get3A_680 : i32 to index
        %get3A_682 = arith.index_cast %scan3A_301 : i32 to index
        %get3A_683 = arith.constant 0 : index
        %get3A_684 = tpu.vector_load %arg13[%get3A_681, %get3A_682, %get3A_683] {strides = array<i32>} : memref<10x128x64xf32, #tpu.memory_space<vmem>>, vector<16xf32>,
        %get3A_685 = arith.constant 9 : i32
        %get3A_686 = arith.index_cast %get3A_685 : i32 to index
        %get3A_687 = arith.index_cast %scan3A_301 : i32 to index
        %get3A_688 = arith.constant 16 : index
        %get3A_689 = tpu.vector_load %arg13[%get3A_686, %get3A_687, %get3A_688] {strides = array<i32>} : memref<10x128x64xf32, #tpu.memory_space<vmem>>, vector<16xf32>,
        %get3A_690 = arith.constant 9 : i32
        %get3A_691 = arith.index_cast %get3A_690 : i32 to index
        %get3A_692 = arith.index_cast %scan3A_301 : i32 to index
        %get3A_693 = arith.constant 32 : index
        %get3A_694 = tpu.vector_load %arg13[%get3A_691, %get3A_692, %get3A_693] {strides = array<i32>} : memref<10x128x64xf32, #tpu.memory_space<vmem>>, vector<16xf32>,
        %get3A_695 = arith.constant 9 : i32
        %get3A_696 = arith.index_cast %get3A_695 : i32 to index
        %get3A_697 = arith.index_cast %scan3A_301 : i32 to index
        %get3A_698 = arith.constant 48 : index
        %get3A_699 = tpu.vector_load %arg13[%get3A_696, %get3A_697, %get3A_698] {strides = array<i32>} : memref<10x128x64xf32, #tpu.memory_space<vmem>>, vector<16xf32>,
        %mul3A_700 = arith.mulf %get3A_304, %get3A_684 : vector<16xf32>
        %mul3A_701 = arith.mulf %get3A_307, %get3A_689 : vector<16xf32>
        %add3A_702 = arith.addf %mul3A_700, %mul3A_701 : vector<16xf32>
        %mul3A_703 = arith.mulf %get3A_310, %get3A_694 : vector<16xf32>
        %add3A_704 = arith.addf %add3A_702, %mul3A_703 : vector<16xf32>
        %mul3A_705 = arith.mulf %get3A_313, %get3A_699 : vector<16xf32>
        %add3A_706 = arith.addf %add3A_704, %mul3A_705 : vector<16xf32>
        %eq3A_707 = arith.constant 10 : i32
        %eq3A_708 = vector.broadcast %eq3A_707 : i32 to vector<16xi32>
        %eq3A_709 = arith.cmpi eq, %iota3A, %eq3A_708 : vector<16xi32>
        %reduce_sum3A_710 = arith.constant true
        %reduce_sum3A_711 = vector.broadcast %reduce_sum3A_710 : i1 to vector<16xi1>
        %reduce_sum3A_712 = tpu.scan <sum>, %add3A_706 masked %reduce_sum3A_711 : vector<16xf32>, vector<16xi1> -> vector<16xf32>
        %reduce_sum3A_713 = vector.extract %reduce_sum3A_712[15] : f32 from vector<16xf32>
        %neg3A_714 = arith.constant 0.000000e+00 : f32
        %neg3A_715 = arith.subf %neg3A_714, %reduce_sum3A_713 : f32
        %broadcast_in_dim3A_716 = vector.broadcast %neg3A_715 : f32 to vector<16xf32>
        %select_n3A_717 = arith.select %eq3A_709, %broadcast_in_dim3A_716, %select_n3A_679 : vector<16xi1>, vector<16xf32>
        %swap3A = arith.index_cast %scan3A_301 : i32 to index
        %swap3A_718 = arith.constant 0 : index
        %swap3A_719 = tpu.vector_load %arg14[%swap3A, %swap3A_718] {strides = array<i32>} : memref<128x16xf32, #tpu.memory_space<vmem>>, vector<16xf32>,
        tpu.vector_store %arg14[%swap3A, %swap3A_718], %select_n3A_717 {strides = array<i32>} : memref<128x16xf32, #tpu.memory_space<vmem>>, vector<16xf32>,
        %scan3A_720 = arith.constant 0 : i32
        scf.yield %scan3A_720 : i32
      }
      %scan3A_299 = arith.constant 128 : i32
      "tpu.region"() ({
        %run_scoped3A_301 = tpu.sem_alloc : memref<!tpu.dma_semaphore, #tpu.memory_space<semaphore_mem>>
        %dma_start3A_302 = arith.constant 0 : i32
        %dma_start3A_303 = tpu.memref_slice %arg7[%add3A_13, %dma_start3A_302] : memref<16384x16xf32, #tpu.memory_space<hbm>> -> memref<128x16xf32, #tpu.memory_space<hbm>>
        %dma_start3A_304 = arith.constant 0 : i32
        %dma_start3A_305 = tpu.memref_slice %arg7[%add3A_13, %dma_start3A_304] : memref<16384x16xf32, #tpu.memory_space<hbm>> -> memref<128x16xf32, #tpu.memory_space<hbm>>
        tpu.enqueue_dma source(%arg14 : memref<128x16xf32, #tpu.memory_space<vmem>>) target(%dma_start3A_305 : memref<128x16xf32, #tpu.memory_space<hbm>>) target_semaphore(%run_scoped3A_301 : memref<!tpu.dma_semaphore, #tpu.memory_space<semaphore_mem>>)
        %dma_wait3A_306 = arith.constant 0 : i32
        %dma_wait3A_307 = tpu.memref_slice %arg7[%add3A_13, %dma_wait3A_306] : memref<16384x16xf32, #tpu.memory_space<hbm>> -> memref<128x16xf32, #tpu.memory_space<hbm>>
        %dma_wait3A_308 = arith.constant 0 : i32
        %dma_wait3A_309 = tpu.memref_slice %arg7[%add3A_13, %dma_wait3A_308] : memref<16384x16xf32, #tpu.memory_space<hbm>> -> memref<128x16xf32, #tpu.memory_space<hbm>>
        tpu.wait_dma2 semaphore(%run_scoped3A_301 : memref<!tpu.dma_semaphore, #tpu.memory_space<semaphore_mem>>) src(%arg14 : memref<128x16xf32, #tpu.memory_space<vmem>>) dst(%dma_wait3A_309 : memref<128x16xf32, #tpu.memory_space<hbm>>)
        tpu.yield
      }) : () -> ()
      %scan3A_300 = arith.constant 0 : i32
      scf.yield %scan3A_300 : i32
    }
    %scan3A_6 = arith.constant 4 : i32
    return
  }
}

module attributes {stable_mosaic.version = 14 : i64} {
  func.func @_loss_tc(%arg0: memref<16384x16xf32, #tpu.memory_space<vmem>>, %arg1: memref<1x1xf32, #tpu.memory_space<smem>>) attributes {dimension_semantics = [], scalar_prefetch = 0 : i64, scratch_operands = 0 : i64, tpu.core_type = #tpu.core_type<tc>} {
    %get3A = arith.constant 0 : index
    %get3A_0 = arith.constant 0 : index
    %get3A_1 = vector.load %arg0[%get3A, %get3A_0] : memref<16384x16xf32, #tpu.memory_space<vmem>>, vector<16384x16xf32>
    %iota3A = tpu.iota {dimensions = array<i32: 1>} : vector<16384x16xi32>
    %min3A = arith.constant 0.000000e+00 : f32
    %min3A_2 = vector.broadcast %min3A : f32 to vector<16384x16xf32>
    %min3A_3 = arith.minimumf %get3A_1, %min3A_2 : vector<16384x16xf32>
    %abs3A = math.absf %get3A_1 : vector<16384x16xf32>
    %neg3A = arith.constant 0.000000e+00 : f32
    %neg3A_4 = vector.broadcast %neg3A : f32 to vector<16384x16xf32>
    %neg3A_5 = arith.subf %neg3A_4, %abs3A : vector<16384x16xf32>
    %exp3A = math.exp %neg3A_5 : vector<16384x16xf32>
    %log1p3A = math.log1p %exp3A : vector<16384x16xf32>
    %sub3A = arith.subf %min3A_3, %log1p3A : vector<16384x16xf32>
    %lt3A = arith.constant 11 : i32
    %lt3A_6 = vector.broadcast %lt3A : i32 to vector<16384x16xi32>
    %lt3A_7 = arith.cmpi slt, %iota3A, %lt3A_6 : vector<16384x16xi32>
    %jit3A = arith.constant 0.000000e+00 : f32
    %broadcast_in_dim3A = vector.broadcast %jit3A : f32 to vector<16384x16xf32>
    %select_n3A = arith.select %lt3A_7, %sub3A, %broadcast_in_dim3A : vector<16384x16xi1>, vector<16384x16xf32>
    %reduce_sum3A = vector.shape_cast %select_n3A : vector<16384x16xf32> to vector<1x16384x16xf32>
    %reduce_sum3A_8 = arith.constant dense<0.000000e+00> : vector<1xf32>
    %reduce_sum3A_9 = vector.multi_reduction <add>, %reduce_sum3A, %reduce_sum3A_8 [1, 2] : vector<1x16384x16xf32> to vector<1xf32>
    %reduce_sum3A_10 = vector.shape_cast %reduce_sum3A_9 : vector<1xf32> to vector<1x1x1xf32>
    %reduce_sum3A_11 = vector.extract %reduce_sum3A_10[0, 0, 0] : f32 from vector<1x1x1xf32>
    %neg3A_12 = arith.constant 0.000000e+00 : f32
    %neg3A_13 = arith.subf %neg3A_12, %reduce_sum3A_11 : f32
    %div3A = arith.constant 1.638400e+04 : f32
    %div3A_14 = arith.divf %neg3A_13, %div3A : f32
    %swap3A = arith.constant 0 : index
    %swap3A_15 = arith.constant 0 : index
    %swap3A_16 = memref.load %arg1[%swap3A, %swap3A_15] : memref<1x1xf32, #tpu.memory_space<smem>>
    memref.store %div3A_14, %arg1[%swap3A, %swap3A_15] : memref<1x1xf32, #tpu.memory_space<smem>>
    return
  }
}

</mosaic_0001>

<sc_bundles>
// kernel: kernel.4.cloned.1.call-start
scs
__scs_entry_jumppad:
0x0: {  	(pc) =	sbr.rel $0x88, $3  }
0x1: {  	(tag) =	ssettag $0x0;
	lr =	simm.s32 $0x1  }
0x2: {  	[smem:$0x3F9D] =	sst lr;
	_ =	strace $0xD0000000  }
0x3: {  	_ = 	snop  }
0x4: {  	_ = 	snop  }
0x5: {  	_ = 	snop  }
0x6: {  	_ = 	snop  }
0x7: {  	_ = 	snop  }
__scs_overlays_trampoline_lowered:
0x8: {  	[smem:$0x3FAC] =	sst s0  }
0x9: {  	[smem:$0x3FAD] =	sst s1  }
0xa: {  	[smem:$0x3FAE] =	sst s2  }
0xb: {  	[smem:$0x3FAF] =	sst s3  }
0xc: {  	[smem:$0x3FB0] =	sst s4  }
0xd: {  	[smem:$0x3FB1] =	sst s5  }
0xe: {  	[smem:$0x3FB2] =	sst s6  }
0xf: {  	[smem:$0x3FB3] =	sst s7  }
0x10: {  	[smem:$0x3FB4] =	sst s8  }
0x11: {  	[smem:$0x3FB5] =	sst s9;
	s0 =	simm.s32 @!p0 $0x0  }
0x12: {  	s1 =	sld [smem:$0x3F9B];
	s0 =	simm.s32 @p0 $0x1  }
0x13: {  	[smem:$0x3FB6] =	sst s0;
	s0 =	simm.s32 @!p1 $0x0  }
0x14: {  	s2 =	sld [smem:$0x3F9A];
	s0 =	simm.s32 @p1 $0x1  }
0x15: {  	[smem:$0x3FB7] =	sst s0;
	s0 =	simm.s32 @!p2 $0x0  }
0x16: {  	s3 =	sld [smem:$0x3FDB];
	s0 =	simm.s32 @p2 $0x1  }
0x17: {  	s4 =	simm.s32 $0x1BF5;
	[smem:$0x3FB9] =	sst s0  }
0x18: {  	s0 =	sld [smem:$0x3F9C];
	_ =	swait.ge [sflag:s4], $0x0  }
0x19: {  	s7 =	sld [smem:$0x3F9D]  }
0x1a: {  	s8 =	sadd.s32 $0xFFFFE003, lr  }
0x1b: {  	s9 =	sadd.s32 $0xFFFFFEF7, lr;
	s5 =	simm.s32 $0xFFFFFFFF;
	p2 =	slt.u32 s8, $0xFFFFF086  }
0x1c: {  	p1 =	slt.u32 s9, $0xF7A;
	s5 =	simm.s32 @!p2 $0x0  }
0x1d: {  	s5 =	simm.s32 @p1 $0x1;
	p0 =	seq.s32 s7, s2  }
0x1e: {  	s7 =	smul.u32 @!p0 $0xF7A, s2;
	p2 =	seq.s32 @!p0 s5, $0x0  }
0x1f: {  	s9 =	smul.u32 $0xF7A, s1;
	s8 =	simm.s32 @!p0 $0x1BF5;
	p2 =	por !p2, p0  }
0x20: {  	[sflag:s8] =	ssyncset.s32 @!p0 $0xFFFFF086;
	s6 =	sadd.s32 @!p0 s3, s7;
	s7 =	simm.s32 @!p0 $0x108  }
0x21: {  	s3 =	sadd.s32 s3, s9;
	s6 =	sadd.s32 @!p0 $0x88, s6;
	s7 =	simm.s32 @p2 $0x1082  }
0x22: {  	[simem:s7], [sflag:s8] =	dma.local @!p0 [hbm:s6], $0xF7A  }
0x23: {  	s9 =	sor.u32 $0xD0000000, s2;
	s6 =	simm.s32 $0x108;
	_ =	swait.ge @!p0 [sflag:s8], $0x0  }
0x24: {  	s3 =	sadd.s32 $0x88, s3;
	s6 =	simm.s32 @!p1 $0x1082;
	[sflag:s4] =	ssyncset.s32 $0xFFFFF086  }
0x25: {  	[simem:s6], [sflag:s4] =	dma.local [hbm:s3], $0xF7A  }
0x26: {  	[smem:$0x3F9D] =	sst s1;
	(tag) =	ssettag s2;
	_ =	strace s9  }
0x27: {  	s1 =	sld [smem:$0x3FAD]  }
0x28: {  	s2 =	sld [smem:$0x3FAE]  }
0x29: {  	s4 =	sld [smem:$0x3FB0]  }
0x2a: {  	p0 =	seq.s32 s5, $0x0;
	s5 =	sld [smem:$0x3FB1]  }
0x2b: {  	s6 =	sld [smem:$0x3FB2]  }
0x2c: {  	s7 =	sld [smem:$0x3FB3]  }
0x2d: {  	s3 =	simm.s32 $0x108;
	s8 =	sld [smem:$0x3FB4]  }
0x2e: {  	s3 =	simm.s32 @!p0 $0x1082;
	s9 =	sld [smem:$0x3FB5]  }
0x2f: {  	lr =	sadd.s32 s0, s3;
	s0 =	sld [smem:$0x3FAC]  }
0x30: {  	s3 =	sld [smem:$0x3FAF]  }
0x31: {  	[smem:$0x3FB8] =	sst s10  }
0x32: {  	s10 =	sld [smem:$0x3FB6];
	_ =	sdelay $0x3  }
0x33: {  	p0 =	seq.s32 s10, $0x1;
	s10 =	sld [smem:$0x3FB8];
	_ =	sdelay $0x3  }
0x34: {  	[smem:$0x3FB8] =	sst s10  }
0x35: {  	s10 =	sld [smem:$0x3FB7];
	_ =	sdelay $0x3  }
0x36: {  	p1 =	seq.s32 s10, $0x1;
	s10 =	sld [smem:$0x3FB8];
	_ =	sdelay $0x3  }
0x37: {  	[smem:$0x3FB8] =	sst s10  }
0x38: {  	s10 =	sld [smem:$0x3FB9]  }
0x39: {  	_ = 	snop;
	(pc) =	sbr.ind lr, $3  }
0x3a: {  	_ = 	snop  }
0x3b: {  	_ = 	snop  }
0x3c: {  	p2 =	seq.s32 s10, $0x1;
	s10 =	sld [smem:$0x3FB8]  }
0x3d: {  	_ =	shalt  }
0x3e: {  	_ =	shalt  }
0x3f: {  	_ =	shalt  }
0x40: {  	_ =	shalt  }
0x41: {  	_ =	shalt  }
0x42: {  	_ =	shalt  }
0x43: {  	_ =	shalt  }
0x44: {  	_ =	shalt  }
0x45: {  	_ =	shalt  }
0x46: {  	_ =	shalt  }
0x47: {  	_ =	shalt  }
0x48: {  	_ =	shalt  }
0x49: {  	_ =	shalt  }
0x4a: {  	_ =	shalt  }
0x4b: {  	_ =	shalt  }
0x4c: {  	_ =	shalt  }
0x4d: {  	_ =	shalt  }
0x4e: {  	_ =	shalt  }
0x4f: {  	_ =	shalt  }
0x50: {  	_ =	shalt  }
0x51: {  	_ =	shalt  }
0x52: {  	_ =	shalt  }
0x53: {  	_ =	shalt  }
0x54: {  	_ =	shalt  }
0x55: {  	_ =	shalt  }
0x56: {  	_ =	shalt  }
0x57: {  	_ =	shalt  }
0x58: {  	_ =	shalt  }
0x59: {  	_ =	shalt  }
0x5a: {  	_ =	shalt  }
0x5b: {  	_ =	shalt  }
0x5c: {  	_ =	shalt  }
0x5d: {  	_ =	shalt  }
0x5e: {  	_ =	shalt  }
0x5f: {  	_ =	shalt  }
0x60: {  	_ =	shalt  }
0x61: {  	_ =	shalt  }
0x62: {  	_ =	shalt  }
0x63: {  	_ =	shalt  }
0x64: {  	_ =	shalt  }
0x65: {  	_ =	shalt  }
0x66: {  	_ =	shalt  }
0x67: {  	_ =	shalt  }
0x68: {  	_ =	shalt  }
0x69: {  	_ =	shalt  }
0x6a: {  	_ =	shalt  }
0x6b: {  	_ =	shalt  }
0x6c: {  	_ =	shalt  }
0x6d: {  	_ =	shalt  }
0x6e: {  	_ =	shalt  }
0x6f: {  	_ =	shalt  }
0x70: {  	_ =	shalt  }
0x71: {  	_ =	shalt  }
0x72: {  	_ =	shalt  }
0x73: {  	_ =	shalt  }
0x74: {  	_ =	shalt  }
0x75: {  	_ =	shalt  }
0x76: {  	_ =	shalt  }
0x77: {  	_ =	shalt  }
0x78: {  	_ =	shalt  }
0x79: {  	_ =	shalt  }
0x7a: {  	_ =	shalt  }
0x7b: {  	_ =	shalt  }
0x7c: {  	_ =	shalt  }
0x7d: {  	_ =	shalt  }
0x7e: {  	_ =	shalt  }
0x7f: {  	_ =	shalt  }
0x80: {  	_ =	shalt  }
0x81: {  	_ =	shalt  }
0x82: {  	_ =	shalt  }
0x83: {  	_ =	shalt  }
0x84: {  	_ =	shalt  }
0x85: {  	_ =	shalt  }
0x86: {  	_ =	shalt  }
0x87: {  	_ =	shalt  }
.Lfunc_end0:
.L_simem_size_0:
called_computation_lowered:
.L_overlay_start_0:
0x88: {  	s2 =	sld [smem:$0x3FD9]  }
0x89: {  	s3 =	sld [smem:$0x3FFE];
	_ =	sdelay $0x1  }
0x8a: {  	s1 =	srdreg.scid  }
0x8b: {  	s0 =	sand.u32 $0x1, s1  }
0x8c: {  	s17 =	sshll.u32 s0, $0xA;
	s2 =	sadd.s32 s3, s2  }
0x8d: {  	s2 =	sadd.s32 s2, s17  }
0x8e: {  	[smem:$0x3FC4] =	sst s2  }
0x8f: {  	_ = 	snop  }
0x90: {  	s2 =	sld [smem:$0x3FC9]  }
0x91: {  	s18 =	sld [smem:$0x3FC8];
	(tm) =	ssettm $0x1  }
0x92: {  	s4 =	sld [smem:$0x3FFB];
	_ =	sdelay $0x3  }
0x93: {  	_ =	strace s4  }
0x94: {  	s4 =	sld [smem:$0x3FFC];
	_ =	sdelay $0x3  }
0x95: {  	_ =	strace s4  }
0x96: {  	s4 =	sld [smem:$0x3FFD];
	_ =	sdelay $0x3  }
0x97: {  	_ =	strace s4  }
0x98: {  	_ =	strace $0x8FFFFFFF  }
0x99: {  	s19 =	sld [smem:$0x3FDB];
	_ =	sdelay $0x1  }
0x9a: {  	s5 =	simm.s32 $_scs_section_size  }
0x9b: {  	s6 =	simm.s32 $_size__tile_overlayer_lowered;
	s7 =	simm.s32 $_tile_overlayer_lowered  }
0x9c: {  	s22 =	simm.s32 $0x1BFF;
	s21 =	sshll.u32 s7, $0x1;
	s4 =	sadd.s32 s5, s19  }
0x9d: {  	s8 =	simm.s32 $0x0;
	s20 =	sshll.u32 s6, $0x1;
	s6 =	sadd.s32 s21, s4  }
0x9e: {  	[timem:s8], [sflag:s22] =	dma.local [hbm:s6], s20  }
0x9f: {  	_ =	swait.ge [sflag:s22], s20  }
0xa0: {  	s5 =	ssub.s32 $0x0, s20;
	[sflag:s22] =	ssyncset.done $0x0  }
0xa1: {  	[sflag:s22] =	ssyncadd.s32 s5;
	_ =	sdelay $0x1  }
0xa2: {  	s23 =	simm.s32 $0x1B8B  }
0xa3: {  	_ =	swait.ge [sflag:s23], $0x1  }
0xa4: {  	[sflag:s23] =	ssyncset.done $0x0  }
0xa5: {  	s25 =	simm.s32 $0x1B8E;
	s24 =	sld [smem:$0x3FFE];
	[sflag:s23] =	ssyncadd.s32 $0xFFFFFFFF  }
0xa6: {  	s26 =	simm.s32 $execute0_lowered;
	[smem:$0x3FD2] =	sst s25  }
0xa7: {  	s6 =	sshll.u32 s26, $0x1;
	_ =	strace $0x80000046;
	[dreg:$0x1] =	wrdreg $0xFFFFFFFF  }
0xa8: {  	s28 =	simm.s32 $_size_execute0_lowered;
	s4 =	sadd.s32 s4, s6;
	[dreg:$0x0] =	wrdreg $0x0  }
0xa9: {  	s6 =	sshll.u32 s28, $0x1;
	[dreg:$0x2] =	wrdreg s4  }
0xaa: {  	[dreg:$0x3] =	wrdreg s6  }
0xab: {  	[dreg:$0x4] =	wrdreg $0xC0  }
0xac: {  	_ =	task [dreg:s8], $0x5FFFF  }
0xad: {  	[dreg:$0x1] =	wrdreg $0xFFFFFFFF  }
0xae: {  	[dreg:$0x0] =	wrdreg $0x60  }
0xaf: {  	[dreg:$0x2] =	wrdreg s2  }
0xb0: {  	[dreg:$0x3] =	wrdreg s18  }
0xb1: {  	[dreg:$0x4] =	wrdreg s24  }
0xb2: {  	[dreg:$0x5] =	wrdreg $0x9  }
0xb3: {  	_ =	task.clear_ibuf [dreg:s8], $0x6FFFF;
	_ =	strace $0x90000046  }
0xb4: {  	s29 =	simm.s32 $0x9;
	_ =	strace $0x80000048  }
0xb5: {  	_ =	swait.ge [sflag:s29], $0x1  }
0xb6: {  	[sflag:s29] =	ssyncadd.s32 $0xFFFFFFFF  }
0xb7: {  	_ =	strace $0x90000048  }
0xb8: {  	_ =	sfence  }
0xb9: {  	s30 =	sld [smem:$0x0];
	_ =	sdelay $0x2  }
0xba: {  	s31 =	sshll.u32 s1, $0xD;
	s1 =	sshrl.u32 s1, $0x2  }
0xbb: {  	s3 =	sand.u32 $0x4000, s31;
	s1 =	sadd.s32 s1, s30  }
0xbc: {  	s0 =	sor.u32 s3, s0;
	s1 =	sshll.u32 s1, $0x11  }
0xbd: {  	s0 =	sor.u32 s1, s0  }
0xbe: {  	s0 =	sadd.s32 $0x8F2B, s0  }
0xbf: {  	[sflag:s0] =	ssyncadd.remote.s32 $0x1  }
0xc0: {  	_ =	sfence.sel $0xFFFF  }
0xc1: {  	[dreg:$0x0] =	wrdreg $0xFFFFFFFF;
	(pc) =	sbr.abs _section_cstart, $3  }
0xc2: {  	[dreg:$0x1] =	wrdreg $0xFFFFFFFF  }
0xc3: {  	_ =	task.clear_ibuf [dreg:s8], $0x2FFFF;
	_ =	strace $0x9FFFFFFF  }
0xc4: {  	(tm) =	ssettm $0x7FFFFFFF  }
0xc5: {  	_ =	shalt  }
tec
execute0_lowered:
.L_overlay_start_1:
0x0: {  	(tag) =	ssettag $0x1  }
0x1: {  	s0 =	rddreg [dreg:$0x2];
	s1 =	simm.s32 $0x0;
	s23 =	srdreg.scid  }
0x2: {  	s4 =	stileid.u32;
	s20 =	simm.s32 $0x2;
	s21 =	simm.s32 $0x80  }
0x3: {  	s28 =	simm.s32 $0x380;
	s29 =	simm.s32 $0x400;
	s30 =	simm.s32 $0x480  }
0x4: {  	s31 =	simm.s32 $0x500;
	[smem:$0x7FF] =	sst s1;
	s22 =	sadd.s32 $0x800, s0  }
0x5: {  	s2 =	sadd.s32 $0xF47C00, s0;
	s7 =	sadd.s32 $0x16E8E00, s0;
	s1 =	sand.u32 $0x1, s23  }
0x6: {  	s24 =	sadd.s32 $0x5800, s0;
	s4 =	sshll.u32 s4, $0xA;
	s10 =	sadd.s32 $0x1000, s0  }
0x7: {  	s11 =	sadd.s32 $0x1800, s0;
	s12 =	sadd.s32 $0x2000, s0;
	s13 =	sadd.s32 $0x2800, s0  }
0x8: {  	s14 =	sadd.s32 $0x3000, s0;
	s15 =	sadd.s32 $0x3800, s0;
	s16 =	sadd.s32 $0x4000, s0  }
0x9: {  	s17 =	sadd.s32 $0x4800, s0;
	_ =	strace $0x80000047;
	[dreg:$0x4] =	wrdreg s22  }
0xa: {  	s18 =	sadd.s32 $0x5000, s0;
	s23 =	simm.s32 $0x180;
	[dreg:$0x5] =	wrdreg s2  }
0xb: {  	s0 =	simm.s32 $0x580;
	[dreg:$0x6] =	wrdreg s24;
	s25 =	ssub.s32 $0x2, s1  }
0xc: {  	s1 =	sshll.u32 s1, $0x9;
	s22 =	simm.s32 $0x100;
	s3 =	sshrl.u32 s25, $0x1  }
0xd: {  	s24 =	simm.s32 $0x200;
	s9 =	sor.u32 s1, s4;
	s2 =	ssub.s32 s25, s3  }
0xe: {  	s1 =	simm.s32 $0x1;
	s25 =	simm.s32 $0x280;
	s26 =	smax.u32 s2, $0x1  }
0xf: {  	vm0 =	vmmov $0x1;
	v0 =	vlaneseq.u32;
	s3 =	simm.s32 $0x0;
	[dreg:$0x7] =	wrdreg s26;
	s26 =	simm.s32 $0x300  }
.LBB2_1:
0x10: {  	[dreg:$0x8] =	wrdreg s3;
	s3 =	simm.s32 $0x0  }
.LBB2_2:
0x11: {  	s2 =	sshll.u32 s3, $0x7  }
0x12: {  	s5 =	sadd.s32 s9, s2  }
0x13: {  	s4 =	rddreg [dreg:$0x0];
	s2 =	sshrl.u32 s5, $0x3  }
0x14: {  	s19 =	simm.s32 $0x0;
	s4 =	sadd.s32 s4, s2  }
0x15: {  	[tilespmem:s19], [sflag:$0x2] =	stream.linear.gather [hbm4b:s4+s19], $0x80, $0x38;
	[tilespmem:$0x18E00] =	vst v63  }
0x16: {  	_ =	swait.ge [sflag:s20], $0x80  }
0x17: {  	[sflag:s20] =	ssyncset.done $0x0  }
0x18: {  	[sflag:s20] =	ssyncadd.s32 $0xFFFFFF80  }
0x19: {  	s6 =	rddreg [dreg:$0x1]  }
0x1a: {  	s4 =	sadd.s32 s6, s2  }
0x1b: {  	[tilespmem:s21], [sflag:$0x2] =	stream.linear.gather [hbm4b:s4+s19], $0x80, $0x38;
	[tilespmem:$0x18E00] =	vst v63  }
0x1c: {  	_ =	swait.ge [sflag:s20], $0x80  }
0x1d: {  	[sflag:s20] =	ssyncset.done $0x0;
	s8 =	rddreg [dreg:$0x4]  }
0x1e: {  	[sflag:s20] =	ssyncadd.s32 $0xFFFFFF80;
	s4 =	sadd.s32 s8, s2  }
0x1f: {  	[tilespmem:s22], [sflag:$0x2] =	stream.linear.gather [hbm4b:s4+s19], $0x80, $0x38;
	[tilespmem:$0x18E00] =	vst v63  }
0x20: {  	_ =	swait.ge [sflag:s20], $0x80  }
0x21: {  	[sflag:s20] =	ssyncset.done $0x0  }
0x22: {  	s6 =	sadd.s32 s2, s10;
	[sflag:s20] =	ssyncadd.s32 $0xFFFFFF80  }
0x23: {  	[tilespmem:s23], [sflag:$0x2] =	stream.linear.gather [hbm4b:s6+s19], $0x80, $0x38;
	[tilespmem:$0x18E00] =	vst v63  }
0x24: {  	_ =	swait.ge [sflag:s20], $0x80  }
0x25: {  	[sflag:s20] =	ssyncset.done $0x0  }
0x26: {  	s8 =	sadd.s32 s2, s11;
	[sflag:s20] =	ssyncadd.s32 $0xFFFFFF80  }
0x27: {  	[tilespmem:s24], [sflag:$0x2] =	stream.linear.gather [hbm4b:s8+s19], $0x80, $0x38;
	[tilespmem:$0x18E00] =	vst v63  }
0x28: {  	_ =	swait.ge [sflag:s20], $0x80  }
0x29: {  	[sflag:s20] =	ssyncset.done $0x0  }
0x2a: {  	s6 =	sadd.s32 s2, s12;
	[sflag:s20] =	ssyncadd.s32 $0xFFFFFF80  }
0x2b: {  	[tilespmem:s25], [sflag:$0x2] =	stream.linear.gather [hbm4b:s6+s19], $0x80, $0x38;
	[tilespmem:$0x18E00] =	vst v63  }
0x2c: {  	_ =	swait.ge [sflag:s20], $0x80  }
0x2d: {  	[sflag:s20] =	ssyncset.done $0x0  }
0x2e: {  	s8 =	sadd.s32 s2, s13;
	[sflag:s20] =	ssyncadd.s32 $0xFFFFFF80  }
0x2f: {  	[tilespmem:s26], [sflag:$0x2] =	stream.linear.gather [hbm4b:s8+s19], $0x80, $0x38;
	[tilespmem:$0x18E00] =	vst v63  }
0x30: {  	_ =	swait.ge [sflag:s20], $0x80  }
0x31: {  	[sflag:s20] =	ssyncset.done $0x0  }
0x32: {  	s6 =	sadd.s32 s2, s14;
	[sflag:s20] =	ssyncadd.s32 $0xFFFFFF80  }
0x33: {  	[tilespmem:s28], [sflag:$0x2] =	stream.linear.gather [hbm4b:s6+s19], $0x80, $0x38;
	[tilespmem:$0x18E00] =	vst v63  }
0x34: {  	_ =	swait.ge [sflag:s20], $0x80  }
0x35: {  	[sflag:s20] =	ssyncset.done $0x0  }
0x36: {  	s8 =	sadd.s32 s2, s15;
	[sflag:s20] =	ssyncadd.s32 $0xFFFFFF80  }
0x37: {  	[tilespmem:s29], [sflag:$0x2] =	stream.linear.gather [hbm4b:s8+s19], $0x80, $0x38;
	[tilespmem:$0x18E00] =	vst v63  }
0x38: {  	_ =	swait.ge [sflag:s20], $0x80  }
0x39: {  	[sflag:s20] =	ssyncset.done $0x0  }
0x3a: {  	s6 =	sadd.s32 s2, s16;
	[sflag:s20] =	ssyncadd.s32 $0xFFFFFF80  }
0x3b: {  	[tilespmem:s30], [sflag:$0x2] =	stream.linear.gather [hbm4b:s6+s19], $0x80, $0x38;
	[tilespmem:$0x18E00] =	vst v63  }
0x3c: {  	_ =	swait.ge [sflag:s20], $0x80  }
0x3d: {  	[sflag:s20] =	ssyncset.done $0x0  }
0x3e: {  	s8 =	sadd.s32 s2, s17;
	[sflag:s20] =	ssyncadd.s32 $0xFFFFFF80  }
0x3f: {  	[tilespmem:s31], [sflag:$0x2] =	stream.linear.gather [hbm4b:s8+s19], $0x80, $0x38;
	[tilespmem:$0x18E00] =	vst v63  }
0x40: {  	_ =	swait.ge [sflag:s20], $0x80  }
0x41: {  	[sflag:s20] =	ssyncset.done $0x0  }
0x42: {  	s2 =	sadd.s32 s2, s18;
	[sflag:s20] =	ssyncadd.s32 $0xFFFFFF80  }
0x43: {  	[tilespmem:s0], [sflag:$0x2] =	stream.linear.gather [hbm4b:s2+s19], $0x80, $0x38;
	[tilespmem:$0x18E00] =	vst v63  }
0x44: {  	_ =	swait.ge [sflag:s20], $0x80  }
0x45: {  	[sflag:s20] =	ssyncset.done $0x0  }
0x46: {  	s8 =	simm.s32 $0x600;
	s6 =	rddreg [dreg:$0x5];
	[sflag:s20] =	ssyncadd.s32 $0xFFFFFF80  }
0x47: {  	[tilespmem:s8], [sflag:$0x1] =	stream.indirect.gather [hbm4b:s6+s21], $0x40, s19, s21, $0xb8;
	[tilespmem:$0x18E00] =	vst v63  }
0x48: {  	s4 =	simm.s32 $0x2600  }
0x49: {  	[tilespmem:s4], [sflag:$0x1] =	stream.indirect.gather [hbm4b:s7+s21], $0x40, s21, s21, $0xb8;
	[tilespmem:$0x18E00] =	vst v63  }
0x4a: {  	s6 =	simm.s32 $0x4600  }
0x4b: {  	[tilespmem:s6], [sflag:$0x1] =	stream.indirect.gather [hbm4b:s7+s21], $0x40, s22, s21, $0xb8;
	[tilespmem:$0x18E00] =	vst v63  }
0x4c: {  	s8 =	simm.s32 $0x6600  }
0x4d: {  	[tilespmem:s8], [sflag:$0x1] =	stream.indirect.gather [hbm4b:s7+s21], $0x40, s23, s21, $0xb8;
	[tilespmem:$0x18E00] =	vst v63  }
0x4e: {  	s19 =	simm.s32 $0x8600  }
0x4f: {  	[tilespmem:s19], [sflag:$0x1] =	stream.indirect.gather [hbm4b:s7+s21], $0x40, s24, s21, $0xb8;
	[tilespmem:$0x18E00] =	vst v63  }
0x50: {  	s4 =	simm.s32 $0xA600  }
0x51: {  	[tilespmem:s4], [sflag:$0x1] =	stream.indirect.gather [hbm4b:s7+s21], $0x40, s25, s21, $0xb8;
	[tilespmem:$0x18E00] =	vst v63  }
0x52: {  	s6 =	simm.s32 $0xC600  }
0x53: {  	[tilespmem:s6], [sflag:$0x1] =	stream.indirect.gather [hbm4b:s7+s21], $0x40, s26, s21, $0xb8;
	[tilespmem:$0x18E00] =	vst v63  }
0x54: {  	s8 =	simm.s32 $0xE600  }
0x55: {  	[tilespmem:s8], [sflag:$0x1] =	stream.indirect.gather [hbm4b:s7+s21], $0x40, s28, s21, $0xb8;
	[tilespmem:$0x18E00] =	vst v63  }
0x56: {  	s19 =	simm.s32 $0x10600  }
0x57: {  	[tilespmem:s19], [sflag:$0x1] =	stream.indirect.gather [hbm4b:s7+s21], $0x40, s29, s21, $0xb8;
	[tilespmem:$0x18E00] =	vst v63  }
0x58: {  	s4 =	simm.s32 $0x12600  }
0x59: {  	[tilespmem:s4], [sflag:$0x1] =	stream.indirect.gather [hbm4b:s7+s21], $0x40, s30, s21, $0xb8;
	[tilespmem:$0x18E00] =	vst v63  }
0x5a: {  	s6 =	simm.s32 $0x14600  }
0x5b: {  	[tilespmem:s6], [sflag:$0x1] =	stream.indirect.gather [hbm4b:s7+s21], $0x40, s31, s21, $0xb8;
	[tilespmem:$0x18E00] =	vst v63  }
0x5c: {  	s8 =	simm.s32 $0x16600  }
0x5d: {  	[tilespmem:s8], [sflag:$0x1] =	stream.indirect.gather [hbm4b:s7+s21], $0x40, s0, s21, $0xb8;
	[tilespmem:$0x18E00] =	vst v63  }
0x5e: {  	_ =	swait.ge [sflag:s1], $0x2000  }
0x5f: {  	[sflag:s1] =	ssyncset.done $0x0  }
0x60: {  	[sflag:s1] =	ssyncadd.s32 $0xFFFFE000  }
0x61: {  	_ =	swait.ge [sflag:s1], $0x2000  }
0x62: {  	[sflag:s1] =	ssyncset.done $0x0  }
0x63: {  	[sflag:s1] =	ssyncadd.s32 $0xFFFFE000  }
0x64: {  	_ =	swait.ge [sflag:s1], $0x2000  }
0x65: {  	[sflag:s1] =	ssyncset.done $0x0  }
0x66: {  	[sflag:s1] =	ssyncadd.s32 $0xFFFFE000  }
0x67: {  	_ =	swait.ge [sflag:s1], $0x2000  }
0x68: {  	[sflag:s1] =	ssyncset.done $0x0  }
0x69: {  	[sflag:s1] =	ssyncadd.s32 $0xFFFFE000  }
0x6a: {  	_ =	swait.ge [sflag:s1], $0x2000  }
0x6b: {  	[sflag:s1] =	ssyncset.done $0x0  }
0x6c: {  	[sflag:s1] =	ssyncadd.s32 $0xFFFFE000  }
0x6d: {  	_ =	swait.ge [sflag:s1], $0x2000  }
0x6e: {  	[sflag:s1] =	ssyncset.done $0x0  }
0x6f: {  	[sflag:s1] =	ssyncadd.s32 $0xFFFFE000  }
0x70: {  	_ =	swait.ge [sflag:s1], $0x2000  }
0x71: {  	[sflag:s1] =	ssyncset.done $0x0  }
0x72: {  	[sflag:s1] =	ssyncadd.s32 $0xFFFFE000  }
0x73: {  	_ =	swait.ge [sflag:s1], $0x2000  }
0x74: {  	[sflag:s1] =	ssyncset.done $0x0  }
0x75: {  	[sflag:s1] =	ssyncadd.s32 $0xFFFFE000  }
0x76: {  	_ =	swait.ge [sflag:s1], $0x2000  }
0x77: {  	[sflag:s1] =	ssyncset.done $0x0  }
0x78: {  	[sflag:s1] =	ssyncadd.s32 $0xFFFFE000  }
0x79: {  	_ =	swait.ge [sflag:s1], $0x2000  }
0x7a: {  	[sflag:s1] =	ssyncset.done $0x0  }
0x7b: {  	[sflag:s1] =	ssyncadd.s32 $0xFFFFE000  }
0x7c: {  	_ =	swait.ge [sflag:s1], $0x2000  }
0x7d: {  	[sflag:s1] =	ssyncset.done $0x0  }
0x7e: {  	[sflag:s1] =	ssyncadd.s32 $0xFFFFE000  }
0x7f: {  	_ =	swait.ge [sflag:s1], $0x2000  }
0x80: {  	[sflag:s1] =	ssyncset.done $0x0  }
0x81: {  	s19 =	simm.s32 $0x0;
	[sflag:s1] =	ssyncadd.s32 $0xFFFFE000  }
0x82: {  	v1 =	vld [tilespmem:s19+$0x14630]  }
0x83: {  	v2 =	vld [tilespmem:s19+$0x12630]  }
0x84: {  	v3 =	vld [tilespmem:s19+$0x14620]  }
0x85: {  	v4 =	vld [tilespmem:s19+$0x16600]  }
0x86: {  	v5 =	vld [tilespmem:s19+$0x12620]  }
0x87: {  	v6 =	vld [tilespmem:s19+$0x14600]  }
0x88: {  	v7 =	vld [tilespmem:s19+$0x14610]  }
0x89: {  	v8 =	vld [tilespmem:s19+$0xE630]  }
0x8a: {  	v9 =	vld [tilespmem:s19+$0x12600]  }
0x8b: {  	v10 =	vld [tilespmem:s19+$0x12610]  }
0x8c: {  	v11 =	vld [tilespmem:s19+$0xC630]  }
0x8d: {  	v12 =	vld [tilespmem:s19+$0xE620]  }
0x8e: {  	v13 =	vld [tilespmem:s19+$0x600]  }
0x8f: {  	v14 =	vld [tilespmem:s19+$0x610]  }
0x90: {  	v15 =	vld [tilespmem:s19+$0x10600]  }
0x91: {  	v16 =	vld [tilespmem:s19+$0x620]  }
0x92: {  	v17 =	vld [tilespmem:s19+$0xC620]  }
0x93: {  	v18 =	vld [tilespmem:s19+$0x630]  }
0x94: {  	v19 =	vld [tilespmem:s19+$0xE600]  }
0x95: {  	v20 =	vld [tilespmem:s19+$0xE610]  }
0x96: {  	v21 =	vld [tilespmem:s19+$0x8630]  }
0x97: {  	v22 =	vld [tilespmem:s19+$0xC600]  }
0x98: {  	v23 =	vld [tilespmem:s19+$0xC610]  }
0x99: {  	v24 =	vld [tilespmem:s19+$0x6630]  }
0x9a: {  	v25 =	vld [tilespmem:s19+$0x8610];
	v6 =	vmul.f32 v6, v13;
	v7 =	vmul.f32 v7, v14  }
0x9b: {  	v52 =	vld [tilespmem:s19+$0x6620];
	v9 =	vmul.f32 v9, v13;
	v10 =	vmul.f32 v10, v14  }
0x9c: {  	v53 =	vld [tilespmem:s19+$0x4610];
	v3 =	vmul.f32 v3, v16;
	v1 =	vmul.f32 v1, v18;
	v6 =	vadd.f32 v7, v6  }
0x9d: {  	v5 =	vmul.f32 v5, v16;
	v19 =	vmul.f32 v19, v13;
	v7 =	vld [tilespmem:s19+$0x8600];
	v9 =	vadd.f32 v10, v9  }
0x9e: {  	v20 =	vmul.f32 v20, v14;
	v51 =	vmul.f32 v23, v14;
	v10 =	vld [tilespmem:s19+$0x6600];
	v3 =	vadd.f32 v3, v6  }
0x9f: {  	v2 =	vmul.f32 v2, v18;
	v6 =	vld [tilespmem:s19+$0x8620];
	v5 =	vadd.f32 v5, v9;
	v9 =	vmul.f32 v22, v13  }
0xa0: {  	v12 =	vmul.f32 v12, v16;
	v19 =	vadd.f32 v20, v19;
	v1 =	vadd.f32 v1, v3;
	v3 =	vld [tilespmem:s19+$0x6610]  }
0xa1: {  	v8 =	vmul.f32 v8, v18;
	v17 =	vmul.f32 v17, v16;
	v20 =	vld [tilespmem:s19+$0x4600];
	v9 =	vadd.f32 v51, v9  }
0xa2: {  	v54 =	vld [tilespmem:s19+$0xA600];
	v12 =	vadd.f32 v12, v19;
	v19 =	vmul.f32 v25, v14;
	v7 =	vmul.f32 v7, v13  }
0xa3: {  	v2 =	vadd.f32 v2, v5;
	v5 =	vadd.f32 v17, v9;
	v9 =	vmul.f32 v11, v18;
	v11 =	vld [tilespmem:s19+$0x4620]  }
0xa4: {  	v8 =	vadd.f32 v8, v12;
	v12 =	vld [tilespmem:s19+$0xA610];
	v7 =	vadd.f32 v19, v7;
	v6 =	vmul.f32 v6, v16  }
0xa5: {  	v10 =	vmul.f32 v10, v13;
	v5 =	vadd.f32 v9, v5;
	v9 =	vld [tilespmem:s19+$0x4630];
	v3 =	vmul.f32 v3, v14  }
0xa6: {  	v17 =	vmul.f32 v53, v14;
	v19 =	vld [tilespmem:s19+$0xA620];
	v6 =	vadd.f32 v6, v7;
	v7 =	vmul.f32 v20, v13  }
0xa7: {  	v55 =	vld [tilespmem:s19+$0x10610];
	(xrf2) =	vadd.scan.msk.f32 $0xffff, v1;
	v1 =	vmul.f32 v24, v18;
	v3 =	vadd.f32 v3, v10;
	v10 =	vmul.f32 v52, v16  }
0xa8: {  	v20 =	vmul.f32 v21, v18;
	v7 =	vadd.f32 v17, v7;
	v11 =	vmul.f32 v11, v16;
	v17 =	vld [tilespmem:s19+$0xA630]  }
0xa9: {  	(xrf2) =	vadd.scan.msk.f32 $0xffff, v2;
	v2 =	vadd.f32 v10, v3;
	v3 =	vmul.f32 v54, v13;
	v10 =	vmul.f32 v12, v14;
	v12 =	vld [tilespmem:s19+$0x10620]  }
0xaa: {  	(xrf2) =	vadd.scan.msk.f32 $0xffff, v8;
	v6 =	vadd.f32 v20, v6;
	v7 =	vadd.f32 v11, v7;
	v8 =	vmul.f32 v9, v18;
	v9 =	vld [tilespmem:s19+$0x16610]  }
0xab: {  	(xrf2) =	vadd.scan.msk.f32 $0xffff, v5;
	v5 =	vld [tilespmem:s19+$0x10630];
	v1 =	vadd.f32 v1, v2;
	v2 =	vadd.f32 v10, v3;
	v3 =	vmul.f32 v19, v16  }
0xac: {  	(xrf2) =	vadd.scan.msk.f32 $0xffff, v6;
	v6 =	vadd.f32 v8, v7;
	v7 =	vmul.f32 v15, v13;
	v8 =	vmul.f32 v55, v14;
	v10 =	vld [tilespmem:s19+$0x16620]  }
0xad: {  	(xrf2) =	vadd.scan.msk.f32 $0xffff, v1;
	v1 =	vadd.f32 v3, v2;
	v2 =	vmul.f32 v17, v18  }
0xae: {  	v3 =	vadd.f32 v8, v7;
	v8 =	vld [tilespmem:s19+$0x16630];
	v7 =	vmul.f32 v12, v16  }
0xaf: {  	(xrf2) =	vadd.scan.msk.f32 $0xffff, v6;
	v6 =	vld [tilespmem:s19+$0x2600];
	v1 =	vadd.f32 v2, v1;
	v2 =	vmul.f32 v4, v13;
	v4 =	vmul.f32 v9, v14  }
0xb0: {  	v5 =	vmul.f32 v5, v18;
	v9 =	vld [tilespmem:s19+$0x2610];
	v3 =	vadd.f32 v7, v3  }
0xb1: {  	v2 =	vadd.f32 v4, v2;
	v4 =	vmul.f32 v10, v16  }
0xb2: {  	v7 =	vld [tilespmem:s19+$0x2620];
	(xrf2) =	vadd.scan.msk.f32 $0xffff, v1;
	v3 =	vadd.f32 v5, v3  }
0xb3: {  	v1, _, _ =	vpop (xrf2);
	v2 =	vadd.f32 v4, v2;
	v4 =	vmul.f32 v8, v18  }
0xb4: {  	v10 =	vld [tilespmem:s19+$0x2630];
	v5, _, _ =	vpop (xrf2)  }
0xb5: {  	v6 =	vmul.f32 v6, v13;
	(xrf2) =	vadd.scan.msk.f32 $0xffff, v3;
	v9 =	vmul.f32 v9, v14;
	v8, _, _ =	vpop (xrf2);
	v2 =	vadd.f32 v4, v2  }
0xb6: {  	v3, _, _ =	vpop (xrf2)  }
0xb7: {  	v7 =	vmul.f32 v7, v16;
	v6 =	vadd.f32 v9, v6;
	v4, _, _ =	vpop (xrf2)  }
0xb8: {  	(xrf2) =	vadd.scan.msk.f32 $0xffff, v2;
	v11, _, _ =	vpop (xrf2)  }
0xb9: {  	v6 =	vadd.f32 v7, v6;
	v7 =	vmul.f32 v10, v18;
	v2, _, _ =	vpop (xrf2)  }
0xba: {  	(v2sf) =	vpush v2, $0xF  }
0xbb: {  	v2 =	vadd.f32 v7, v6;
	(v2sf) =	vpush v11, $0xF  }
0xbc: {  	(v2sf) =	vpush v4, $0xF;
	v4, _, _ =	vpop (xrf2)  }
0xbd: {  	(v2sf) =	vpush v4, $0xF  }
0xbe: {  	(xrf2) =	vadd.scan.msk.f32 $0xffff, v2;
	(v2sf) =	vpush v3, $0xF  }
0xbf: {  	v2, _, _ =	vpop (xrf2);
	(v2sf) =	vpush v8, $0xF  }
0xc0: {  	(v2sf) =	vpush v2, $0xF  }
0xc1: {  	(v2sf) =	vpush v5, $0xF  }
0xc2: {  	(v2sf) =	vpush v1, $0xF;
	v1, _, _ =	vpop (xrf2)  }
0xc3: {  	(v2sf) =	vpush v1, $0xF;
	_ =	sdelay $0x4  }
0xc4: {  	v1, _, _ =	vpop (xrf2)  }
0xc5: {  	v1 =	vbroadcast v1, $0xF;
	s4 =	spop (v2sf)  }
0xc6: {  	s2 =	ssub.f32 $0.0e+00, s4;
	s6 =	spop (v2sf)  }
0xc7: {  	vm1 =	veq.s32 v0, $0x1;
	v1 =	vnsel vm0, $0x0, v1;
	s4 =	ssub.f32 $0.0e+00, s6;
	s8 =	spop (v2sf)  }
0xc8: {  	vm2 =	veq.s32 v0, $0x2;
	v1 =	vsel vm1, s2, v1;
	s2 =	ssub.f32 $0.0e+00, s8;
	s6 =	spop (v2sf)  }
0xc9: {  	vm3 =	veq.s32 v0, $0x3;
	v1 =	vsel vm2, s4, v1;
	s4 =	ssub.f32 $0.0e+00, s6;
	s8 =	spop (v2sf)  }
0xca: {  	vm4 =	veq.s32 v0, $0x4;
	v1 =	vsel vm3, s2, v1;
	s2 =	ssub.f32 $0.0e+00, s8;
	s6 =	spop (v2sf)  }
0xcb: {  	vm5 =	veq.s32 v0, $0x5;
	v1 =	vsel vm4, s4, v1;
	s4 =	ssub.f32 $0.0e+00, s6;
	s8 =	spop (v2sf)  }
0xcc: {  	vm6 =	veq.s32 v0, $0x6;
	v1 =	vsel vm5, s2, v1;
	s2 =	ssub.f32 $0.0e+00, s8;
	s6 =	spop (v2sf)  }
0xcd: {  	vm7 =	veq.s32 v0, $0x7;
	v1 =	vsel vm6, s4, v1;
	s4 =	ssub.f32 $0.0e+00, s6;
	s8 =	spop (v2sf)  }
0xce: {  	vm8 =	veq.s32 v0, $0x8;
	v1 =	vsel vm7, s2, v1;
	s2 =	ssub.f32 $0.0e+00, s8;
	s6 =	spop (v2sf)  }
0xcf: {  	vm9 =	veq.s32 v0, $0x9;
	v1 =	vsel vm8, s4, v1;
	s8 =	ssub.f32 $0.0e+00, s6  }
0xd0: {  	vm10 =	veq.s32 v0, $0xA;
	v1 =	vsel vm9, s2, v1  }
0xd1: {  	s19 =	simm.s32 $0x18600;
	v1 =	vsel vm10, s8, v1  }
0xd2: {  	s2 =	simm.s32 $0x40;
	[tilespmem:s19+$0x0] =	vst v1  }
0xd3: {  	v10 =	vld [tilespmem:s2+$0x14630]  }
0xd4: {  	v11 =	vld [tilespmem:s2+$0x12630]  }
0xd5: {  	v9 =	vld [tilespmem:s2+$0x14620]  }
0xd6: {  	v5 =	vld [tilespmem:s2+$0x16600]  }
0xd7: {  	v12 =	vld [tilespmem:s2+$0x12620]  }
0xd8: {  	v8 =	vld [tilespmem:s2+$0x14600]  }
0xd9: {  	v13 =	vld [tilespmem:s2+$0x14610]  }
0xda: {  	v14 =	vld [tilespmem:s2+$0xE630]  }
0xdb: {  	v15 =	vld [tilespmem:s2+$0x12600]  }
0xdc: {  	v16 =	vld [tilespmem:s2+$0x12610]  }
0xdd: {  	v7 =	vld [tilespmem:s2+$0xC630]  }
0xde: {  	v17 =	vld [tilespmem:s2+$0xE620]  }
0xdf: {  	v3 =	vld [tilespmem:s2+$0x600]  }
0xe0: {  	v4 =	vld [tilespmem:s2+$0x610]  }
0xe1: {  	v6 =	vld [tilespmem:s2+$0x10600]  }
0xe2: {  	v2 =	vld [tilespmem:s2+$0x620]  }
0xe3: {  	v18 =	vld [tilespmem:s2+$0xC620]  }
0xe4: {  	v1 =	vld [tilespmem:s2+$0x630]  }
0xe5: {  	v19 =	vld [tilespmem:s2+$0xE600];
	v56 =	vmul.f32 v8, v3;
	v13 =	vmul.f32 v13, v4  }
0xe6: {  	v20 =	vld [tilespmem:s2+$0xE610]  }
0xe7: {  	v57 =	vld [tilespmem:s2+$0xC600];
	v59 =	vmul.f32 v9, v2;
	v13 =	vadd.f32 v13, v56  }
0xe8: {  	v58 =	vld [tilespmem:s2+$0xC610];
	v15 =	vmul.f32 v15, v3;
	v16 =	vmul.f32 v16, v4  }
0xe9: {  	v60 =	vld [tilespmem:s2+$0x8600];
	v10 =	vmul.f32 v10, v1;
	v13 =	vadd.f32 v59, v13  }
0xea: {  	v8 =	vld [tilespmem:s2+$0x8630];
	v12 =	vmul.f32 v12, v2;
	v15 =	vadd.f32 v16, v15  }
0xeb: {  	v9 =	vld [tilespmem:s2+$0x6630];
	v16 =	vmul.f32 v19, v3;
	v19 =	vmul.f32 v20, v4;
	v10 =	vadd.f32 v10, v13  }
0xec: {  	v61 =	vmul.f32 v11, v1;
	v20 =	vld [tilespmem:s2+$0x8610];
	v15 =	vadd.f32 v12, v15  }
0xed: {  	v11 =	vld [tilespmem:s2+$0x8620];
	v17 =	vmul.f32 v17, v2;
	v16 =	vadd.f32 v19, v16;
	(xrf2) =	vadd.scan.msk.f32 $0xffff, v10  }
0xee: {  	v21 =	vmul.f32 v58, v4;
	v12 =	vld [tilespmem:s2+$0x6600];
	v19 =	vmul.f32 v57, v3;
	v15 =	vadd.f32 v61, v15  }
0xef: {  	v63 =	vmul.f32 v14, v1;
	v13 =	vld [tilespmem:s2+$0x6610];
	v62 =	vadd.f32 v17, v16  }
0xf0: {  	v14 =	vld [tilespmem:s2+$0x4600];
	v16 =	vadd.f32 v21, v19;
	v17 =	vmul.f32 v18, v2;
	(xrf2) =	vadd.scan.msk.f32 $0xffff, v15  }
0xf1: {  	s4 =	simm.s32 $0x200;
	v18 =	vmul.f32 v60, v3;
	v19 =	vmul.f32 v20, v4;
	v10 =	vld [tilespmem:s2+$0x6620];
	v15 =	vadd.f32 v63, v62  }
.LBB2_3:
0xf2: {  	p0 =	sne.s32 s4, $0x7F00;
	v20 =	vld [tilespmem:s2+$0x4610];
	v16 =	vadd.f32 v17, v16;
	v7 =	vmul.f32 v7, v1  }
0xf3: {  	v11 =	vmul.f32 v11, v2;
	v17 =	vadd.f32 v19, v18;
	v18 =	vld [tilespmem:s2+$0xA600];
	(xrf2) =	vadd.scan.msk.f32 $0xffff, v15  }
0xf4: {  	v12 =	vmul.f32 v12, v3;
	v15 =	vld [tilespmem:s2+$0x4620];
	v13 =	vmul.f32 v13, v4;
	v7 =	vadd.f32 v7, v16  }
0xf5: {  	v8 =	vmul.f32 v8, v1;
	v11 =	vadd.f32 v11, v17;
	v16 =	vld [tilespmem:s2+$0xA610]  }
0xf6: {  	v10 =	vmul.f32 v10, v2;
	v17 =	vld [tilespmem:s2+$0x4630];
	v12 =	vadd.f32 v13, v12;
	(xrf2) =	vadd.scan.msk.f32 $0xffff, v7  }
0xf7: {  	v7 =	vmul.f32 v14, v3;
	v13 =	vmul.f32 v20, v4;
	v8 =	vadd.f32 v8, v11;
	v11 =	vld [tilespmem:s2+$0xA620];
	v14, _, _ =	vpop (xrf2)  }
0xf8: {  	v9 =	vmul.f32 v9, v1;
	v10 =	vadd.f32 v10, v12;
	v12 =	vld [tilespmem:s2+$0x10610]  }
0xf9: {  	v7 =	vadd.f32 v13, v7;
	v13 =	vmul.f32 v15, v2;
	v15 =	vld [tilespmem:s2+$0xA630];
	(xrf2) =	vadd.scan.msk.f32 $0xffff, v8  }
0xfa: {  	v8 =	vadd.f32 v9, v10;
	v9 =	vmul.f32 v18, v3;
	v10 =	vmul.f32 v16, v4;
	v16 =	vld [tilespmem:s2+$0x10620];
	v18, _, _ =	vpop (xrf2)  }
0xfb: {  	v7 =	vadd.f32 v13, v7;
	v19 =	vmul.f32 v17, v1;
	v17 =	vld [tilespmem:s2+$0x16610]  }
0xfc: {  	v9 =	vadd.f32 v10, v9;
	v10 =	vmul.f32 v11, v2;
	v11 =	vld [tilespmem:s2+$0x10630];
	(xrf2) =	vadd.scan.msk.f32 $0xffff, v8  }
0xfd: {  	v6 =	vmul.f32 v6, v3;
	v7 =	vadd.f32 v19, v7;
	v8 =	vmul.f32 v12, v4;
	v12 =	vld [tilespmem:s2+$0x16620];
	v13, _, _ =	vpop (xrf2)  }
0xfe: {  	v9 =	vadd.f32 v10, v9;
	v10 =	vmul.f32 v15, v1  }
0xff: {  	v6 =	vadd.f32 v8, v6;
	v8 =	vmul.f32 v16, v2;
	v15 =	vld [tilespmem:s2+$0x16630];
	(xrf2) =	vadd.scan.msk.f32 $0xffff, v7  }
0x100: {  	v5 =	vmul.f32 v5, v3;
	v7 =	vld [tilespmem:s2+$0x2600];
	v9 =	vadd.f32 v10, v9;
	v10 =	vmul.f32 v17, v4;
	v16, _, _ =	vpop (xrf2)  }
0x101: {  	v17 =	vld [tilespmem:s2+$0x2610];
	v6 =	vadd.f32 v8, v6;
	v11 =	vmul.f32 v11, v1  }
0x102: {  	v5 =	vadd.f32 v10, v5;
	v10 =	vmul.f32 v12, v2;
	(xrf2) =	vadd.scan.msk.f32 $0xffff, v9  }
0x103: {  	v9 =	vld [tilespmem:s2+$0x2620];
	v12 =	vadd.f32 v11, v6;
	v8, _, _ =	vpop (xrf2)  }
0x104: {  	v5 =	vadd.f32 v10, v5;
	v10 =	vmul.f32 v15, v1  }
0x105: {  	v11 =	vld [tilespmem:s2+$0x2630];
	(xrf2) =	vadd.scan.msk.f32 $0xffff, v12  }
0x106: {  	v3 =	vmul.f32 v7, v3;
	v7 =	vmul.f32 v17, v4;
	v5 =	vadd.f32 v10, v5;
	v6, _, _ =	vpop (xrf2);
	_ =	sdelay $0x1  }
0x107: {  	v3 =	vadd.f32 v7, v3;
	v2 =	vmul.f32 v9, v2;
	(xrf2) =	vadd.scan.msk.f32 $0xffff, v5  }
0x108: {  	v4, _, _ =	vpop (xrf2)  }
0x109: {  	v3 =	vadd.f32 v2, v3;
	v1 =	vmul.f32 v11, v1;
	(v2sf) =	vpush v4, $0xF  }
0x10a: {  	(v2sf) =	vpush v6, $0xF  }
0x10b: {  	v3 =	vadd.f32 v1, v3;
	(v2sf) =	vpush v8, $0xF;
	v2, _, _ =	vpop (xrf2)  }
0x10c: {  	(v2sf) =	vpush v2, $0xF  }
0x10d: {  	(xrf2) =	vadd.scan.msk.f32 $0xffff, v3;
	(v2sf) =	vpush v16, $0xF  }
0x10e: {  	(v2sf) =	vpush v13, $0xF;
	v1, _, _ =	vpop (xrf2)  }
0x10f: {  	(v2sf) =	vpush v1, $0xF  }
0x110: {  	(v2sf) =	vpush v18, $0xF  }
0x111: {  	(v2sf) =	vpush v14, $0xF;
	v1, _, _ =	vpop (xrf2)  }
0x112: {  	(v2sf) =	vpush v1, $0xF;
	_ =	sdelay $0x4  }
0x113: {  	v1, _, _ =	vpop (xrf2)  }
0x114: {  	v1 =	vbroadcast v1, $0xF;
	s2 =	spop (v2sf)  }
0x115: {  	s2 =	ssub.f32 $0.0e+00, s2;
	s6 =	spop (v2sf)  }
0x116: {  	v1 =	vnsel vm0, $0x0, v1;
	s6 =	ssub.f32 $0.0e+00, s6;
	s8 =	spop (v2sf)  }
0x117: {  	v1 =	vsel vm1, s2, v1;
	s2 =	ssub.f32 $0.0e+00, s8;
	s8 =	spop (v2sf)  }
0x118: {  	v1 =	vsel vm2, s6, v1;
	s6 =	ssub.f32 $0.0e+00, s8;
	s8 =	spop (v2sf)  }
0x119: {  	v1 =	vsel vm3, s2, v1;
	s2 =	ssub.f32 $0.0e+00, s8;
	s8 =	spop (v2sf)  }
0x11a: {  	v1 =	vsel vm4, s6, v1;
	s6 =	ssub.f32 $0.0e+00, s8;
	s8 =	spop (v2sf)  }
0x11b: {  	v1 =	vsel vm5, s2, v1;
	s2 =	ssub.f32 $0.0e+00, s8;
	s8 =	spop (v2sf)  }
0x11c: {  	v1 =	vsel vm6, s6, v1;
	s6 =	ssub.f32 $0.0e+00, s8;
	s8 =	spop (v2sf)  }
0x11d: {  	v1 =	vsel vm7, s2, v1;
	s2 =	ssub.f32 $0.0e+00, s8;
	s8 =	spop (v2sf)  }
0x11e: {  	v1 =	vsel vm8, s6, v1;
	s6 =	ssub.f32 $0.0e+00, s8  }
0x11f: {  	v1 =	vsel vm9, s2, v1  }
0x120: {  	s19 =	sadd.s32 $0x10, s19;
	v1 =	vsel vm10, s6, v1  }
0x121: {  	s2 =	sshra.s32 s4, $0x2;
	[tilespmem:s19+$0x0] =	vst v1  }
0x122: {  	v9 =	vld [tilespmem:s2+$0x14630]  }
0x123: {  	v10 =	vld [tilespmem:s2+$0x12630]  }
0x124: {  	v11 =	vld [tilespmem:s2+$0x14620]  }
0x125: {  	v5 =	vld [tilespmem:s2+$0x16600]  }
0x126: {  	v12 =	vld [tilespmem:s2+$0x12620]  }
0x127: {  	v8 =	vld [tilespmem:s2+$0x14600]  }
0x128: {  	v13 =	vld [tilespmem:s2+$0x14610]  }
0x129: {  	v14 =	vld [tilespmem:s2+$0xE630]  }
0x12a: {  	v15 =	vld [tilespmem:s2+$0x12600]  }
0x12b: {  	v16 =	vld [tilespmem:s2+$0x12610]  }
0x12c: {  	v7 =	vld [tilespmem:s2+$0xC630]  }
0x12d: {  	v17 =	vld [tilespmem:s2+$0xE620]  }
0x12e: {  	v3 =	vld [tilespmem:s2+$0x600]  }
0x12f: {  	v4 =	vld [tilespmem:s2+$0x610]  }
0x130: {  	v6 =	vld [tilespmem:s2+$0x10600]  }
0x131: {  	v2 =	vld [tilespmem:s2+$0x620]  }
0x132: {  	v18 =	vld [tilespmem:s2+$0xC620]  }
0x133: {  	v1 =	vld [tilespmem:s2+$0x630]  }
0x134: {  	v20 =	vmul.f32 v8, v3;
	v19 =	vld [tilespmem:s2+$0xE600];
	v13 =	vmul.f32 v13, v4  }
0x135: {  	v21 =	vld [tilespmem:s2+$0xE610]  }
0x136: {  	v8 =	vld [tilespmem:s2+$0x8630];
	v13 =	vadd.f32 v13, v20;
	v11 =	vmul.f32 v11, v2  }
0x137: {  	v15 =	vmul.f32 v15, v3;
	v16 =	vmul.f32 v16, v4;
	v20 =	vld [tilespmem:s2+$0xC600]  }
0x138: {  	v22 =	vld [tilespmem:s2+$0xC610];
	v11 =	vadd.f32 v11, v13;
	v13 =	vmul.f32 v9, v1  }
0x139: {  	v15 =	vadd.f32 v16, v15;
	v12 =	vmul.f32 v12, v2;
	v9 =	vld [tilespmem:s2+$0x6630]  }
0x13a: {  	v16 =	vmul.f32 v19, v3;
	v23 =	vld [tilespmem:s2+$0x8600];
	v19 =	vmul.f32 v21, v4;
	v13 =	vadd.f32 v13, v11  }
0x13b: {  	v15 =	vadd.f32 v12, v15;
	v10 =	vmul.f32 v10, v1;
	v21 =	vld [tilespmem:s2+$0x8610]  }
.Ltmp0:
0x13c: {  	v17 =	vmul.f32 v17, v2;
	v11 =	vld [tilespmem:s2+$0x8620];
	v16 =	vadd.f32 v19, v16;
	(xrf2) =	vadd.scan.msk.f32 $0xffff, v13;
	(pc) =	sbr.rel @p0 .LBB2_3-.Ltmp0, $4  }
0x13d: {  	v15 =	vadd.f32 v10, v15;
	v19 =	vmul.f32 v20, v3;
	v12 =	vld [tilespmem:s2+$0x6600];
	v20 =	vmul.f32 v22, v4  }
0x13e: {  	v24 =	vmul.f32 v14, v1;
	v13 =	vld [tilespmem:s2+$0x6610];
	v22 =	vadd.f32 v17, v16  }
0x13f: {  	v17 =	vmul.f32 v18, v2;
	v10 =	vld [tilespmem:s2+$0x6620];
	v16 =	vadd.f32 v20, v19;
	(xrf2) =	vadd.scan.msk.f32 $0xffff, v15  }
0x140: {  	s4 =	sadd.s32 $0x100, s4;
	v18 =	vmul.f32 v23, v3;
	v14 =	vld [tilespmem:s2+$0x4600];
	v19 =	vmul.f32 v21, v4;
	v15 =	vadd.f32 v24, v22  }
0x141: {  	v20 =	vld [tilespmem:s2+$0x4610]  }
0x142: {  	v21 =	vld [tilespmem:s2+$0xA600]  }
0x143: {  	v25 =	vld [tilespmem:s2+$0x4620]  }
0x144: {  	v7 =	vmul.f32 v7, v1;
	v11 =	vmul.f32 v11, v2;
	v26 =	vld [tilespmem:s2+$0xA610]  }
0x145: {  	v27 =	vld [tilespmem:s2+$0x4630];
	v8 =	vmul.f32 v8, v1;
	v9 =	vmul.f32 v9, v1  }
0x146: {  	v16 =	vadd.f32 v17, v16;
	v29 =	vld [tilespmem:s2+$0xA620];
	v12 =	vmul.f32 v12, v3;
	v13 =	vmul.f32 v13, v4  }
0x147: {  	v30 =	vld [tilespmem:s2+$0x10610];
	v18 =	vadd.f32 v19, v18;
	v14 =	vmul.f32 v14, v3;
	v28 =	vmul.f32 v20, v4  }
0x148: {  	v31 =	vld [tilespmem:s2+$0xA630];
	v7 =	vadd.f32 v7, v16;
	v10 =	vmul.f32 v10, v2;
	v12 =	vadd.f32 v13, v12  }
0x149: {  	v33 =	vld [tilespmem:s2+$0x10620];
	v11 =	vadd.f32 v11, v18;
	v17 =	vmul.f32 v25, v2;
	v14 =	vadd.f32 v28, v14  }
0x14a: {  	v36 =	vld [tilespmem:s2+$0x16610];
	v32 =	vmul.f32 v21, v3;
	v19 =	vmul.f32 v26, v4;
	v10 =	vadd.f32 v10, v12  }
0x14b: {  	v40 =	vld [tilespmem:s2+$0x10630];
	(xrf2) =	vadd.scan.msk.f32 $0xffff, v15;
	v8 =	vadd.f32 v8, v11;
	v35 =	vmul.f32 v27, v1;
	v34 =	vadd.f32 v17, v14  }
0x14c: {  	v43 =	vld [tilespmem:s2+$0x16620];
	(xrf2) =	vadd.scan.msk.f32 $0xffff, v7;
	v39 =	vmul.f32 v29, v2;
	v38 =	vadd.f32 v19, v32;
	v37 =	vadd.f32 v9, v10  }
0x14d: {  	v6 =	vmul.f32 v6, v3;
	v47 =	vld [tilespmem:s2+$0x16630];
	v42 =	vmul.f32 v30, v4;
	(xrf2) =	vadd.scan.msk.f32 $0xffff, v8;
	v41 =	vadd.f32 v35, v34  }
0x14e: {  	v48 =	vld [tilespmem:s2+$0x2600];
	v45 =	vmul.f32 v31, v1;
	v44 =	vadd.f32 v39, v38;
	(xrf2) =	vadd.scan.msk.f32 $0xffff, v37  }
0x14f: {  	v50 =	vld [tilespmem:s2+$0x2610];
	v46 =	vmul.f32 v33, v2;
	v6 =	vadd.f32 v42, v6;
	(xrf2) =	vadd.scan.msk.f32 $0xffff, v41  }
0x150: {  	v5 =	vmul.f32 v5, v3;
	v49 =	vmul.f32 v36, v4;
	v7 =	vadd.f32 v45, v44  }
0x151: {  	v54 =	vld [tilespmem:s2+$0x2620];
	v51 =	vmul.f32 v40, v1;
	v6 =	vadd.f32 v46, v6  }
0x152: {  	v52 =	vmul.f32 v43, v2;
	v5 =	vadd.f32 v49, v5;
	(xrf2) =	vadd.scan.msk.f32 $0xffff, v7  }
0x153: {  	v53, _, _ =	vpop (xrf2);
	v56 =	vmul.f32 v47, v1;
	v6 =	vadd.f32 v51, v6  }
0x154: {  	v58 =	vld [tilespmem:s2+$0x2630];
	v3 =	vmul.f32 v48, v3;
	v60 =	vmul.f32 v50, v4;
	v55, _, _ =	vpop (xrf2);
	v5 =	vadd.f32 v52, v5  }
0x155: {  	v57, _, _ =	vpop (xrf2);
	(xrf2) =	vadd.scan.msk.f32 $0xffff, v6  }
0x156: {  	v2 =	vmul.f32 v54, v2;
	v3 =	vadd.f32 v60, v3;
	v5 =	vadd.f32 v56, v5;
	v59, _, _ =	vpop (xrf2)  }
0x157: {  	v61, _, _ =	vpop (xrf2)  }
0x158: {  	v2 =	vadd.f32 v2, v3;
	(xrf2) =	vadd.scan.msk.f32 $0xffff, v5;
	v62, _, _ =	vpop (xrf2)  }
0x159: {  	v1 =	vmul.f32 v58, v1;
	v63, _, _ =	vpop (xrf2)  }
0x15a: {  	(v2sf) =	vpush v63, $0xF  }
0x15b: {  	v1 =	vadd.f32 v1, v2;
	(v2sf) =	vpush v62, $0xF  }
0x15c: {  	v2, _, _ =	vpop (xrf2);
	(v2sf) =	vpush v61, $0xF  }
0x15d: {  	(v2sf) =	vpush v2, $0xF  }
0x15e: {  	(xrf2) =	vadd.scan.msk.f32 $0xffff, v1;
	(v2sf) =	vpush v59, $0xF  }
0x15f: {  	v1, _, _ =	vpop (xrf2);
	(v2sf) =	vpush v57, $0xF  }
0x160: {  	(v2sf) =	vpush v1, $0xF  }
0x161: {  	(v2sf) =	vpush v55, $0xF  }
0x162: {  	v1, _, _ =	vpop (xrf2);
	(v2sf) =	vpush v53, $0xF  }
0x163: {  	(v2sf) =	vpush v1, $0xF;
	_ =	sdelay $0x4  }
0x164: {  	v1, _, _ =	vpop (xrf2)  }
0x165: {  	v1 =	vbroadcast v1, $0xF;
	s6 =	spop (v2sf)  }
0x166: {  	s2 =	ssub.f32 $0.0e+00, s6;
	s4 =	spop (v2sf)  }
0x167: {  	vm1 =	veq.s32 v0, $0x1;
	v1 =	vnsel vm0, $0x0, v1;
	s4 =	ssub.f32 $0.0e+00, s4;
	s6 =	spop (v2sf)  }
0x168: {  	v1 =	vsel vm1, s2, v1;
	vm1 =	veq.s32 v0, $0x2;
	s2 =	ssub.f32 $0.0e+00, s6;
	s8 =	spop (v2sf)  }
0x169: {  	v1 =	vsel vm1, s4, v1;
	vm1 =	veq.s32 v0, $0x3;
	s4 =	ssub.f32 $0.0e+00, s8;
	s8 =	spop (v2sf)  }
0x16a: {  	v1 =	vsel vm1, s2, v1;
	vm1 =	veq.s32 v0, $0x4;
	s2 =	ssub.f32 $0.0e+00, s8;
	s8 =	spop (v2sf)  }
0x16b: {  	v1 =	vsel vm1, s4, v1;
	vm1 =	veq.s32 v0, $0x5;
	s4 =	ssub.f32 $0.0e+00, s8;
	s8 =	spop (v2sf)  }
0x16c: {  	v1 =	vsel vm1, s2, v1;
	vm1 =	veq.s32 v0, $0x6;
	s2 =	ssub.f32 $0.0e+00, s8;
	s8 =	spop (v2sf)  }
0x16d: {  	v1 =	vsel vm1, s4, v1;
	vm1 =	veq.s32 v0, $0x7;
	s4 =	ssub.f32 $0.0e+00, s8;
	s8 =	spop (v2sf)  }
0x16e: {  	v1 =	vsel vm1, s2, v1;
	vm1 =	veq.s32 v0, $0x8;
	s2 =	ssub.f32 $0.0e+00, s8;
	s8 =	spop (v2sf)  }
0x16f: {  	s3 =	sadd.s32 $0x1, s3;
	v1 =	vsel vm1, s4, v1;
	vm1 =	veq.s32 v0, $0x9;
	s8 =	ssub.f32 $0.0e+00, s8  }
0x170: {  	s5 =	sshll.u32 s5, $0x1;
	p0 =	sne.s32 s3, $0x4;
	v1 =	vsel vm1, s2, v1;
	vm1 =	veq.s32 v0, $0xA  }
0x171: {  	s6 =	rddreg [dreg:$0x6];
	s4 =	sadd.s32 $0x10, s19;
	s19 =	simm.s32 $0x18600;
	v1 =	vsel vm1, s8, v1  }
.Ltmp1:
0x172: {  	s2 =	sadd.s32 s6, s5;
	s8 =	simm.s32 $0x0;
	[tilespmem:s4+$0x0] =	vst v1;
	(pc) =	sbr.rel @p0 .LBB2_2-.Ltmp1, $4  }
0x173: {  	[hbm4b:s2+s8] =	stream.linear.scatter [tilespmem:s19], [sflag:$0x2], $0x800, $0x38;
	[tilespmem:$0x18E00] =	vst v63  }
0x174: {  	_ =	swait.ge [sflag:s20], $0x800  }
0x175: {  	[sflag:s20] =	ssyncset.done $0x0  }
0x176: {  	[sflag:s20] =	ssyncadd.s32 $0xFFFFF800  }
0x177: {  	s3 =	rddreg [dreg:$0x8]  }
0x178: {  	s2 =	rddreg [dreg:$0x7];
	s3 =	sadd.s32 $0x1, s3  }
0x179: {  	p0 =	sne.s32 s3, s2  }
.Ltmp2:
0x17a: {  	_ = 	snop;
	(pc) =	sbr.rel @p0 .LBB2_1-.Ltmp2, $1  }
0x17b: {  	_ =	sdelay $0x3  }
0x17c: {  	_ =	sfence.sel $0x180000  }
0x17d: {  	[bflag:$0x0] =	sbarrier.arrive $0xFFFF  }
0x17e: {  	_ =	strace $0x90000047  }
0x17f: {  	s0 =	stileid.u32;
	[bflag:$0x2] =	sbarrier.arrive $0xFFFF  }
0x180: {  	p0 =	sne.s32 s0, $0x0;
	s0 =	rddreg [dreg:$0x3]  }
0x181: {  	s0 =	sadd.s32 @!p0 $0x100000, s0  }
0x182: {  	[sflag:s0] =	ssyncadd.tile.s32 @!p0 $0x1;
	_ =	shalt  }
.Lfunc_end2:
_tile_overlayer_lowered:
.L_overlay_start_2:
0x183: {  	(tag) =	ssettag $0x2  }
0x184: {  	s0 =	rddreg [dreg:$0x0];
	s2 =	stileid.u32  }
0x185: {  	s1 =	rddreg [dreg:$0x1];
	p0 =	sne.s32 s2, $0x0  }
0x186: {  	s3 =	rddreg [dreg:$0x2];
	[bflag:$0x3] =	sbarrier.arrive $0xFFFF;
	s2 =	simm.s32 @!p0 $0x1C02  }
0x187: {  	[timem:s3], [sflag:s2] =	dma.local @!p0 [hbm:s0], s1  }
0x188: {  	s0 =	simm.s32 @!p0 $0x2  }
0x189: {  	_ =	swait.ge @!p0 [sflag:s0], s1  }
0x18a: {  	s1 =	ssub.s32 @!p0 $0x0, s1;
	[sflag:s0] =	ssyncset.done @!p0 $0x0  }
0x18b: {  	[sflag:s0] =	ssyncadd.s32 @!p0 s1  }
0x18c: {  	[bflag:$0x3] =	sbarrier.arrive $0xFFFF  }
0x18d: {  	_ =	shalt  }

</sc_bundles>
